<compile_context>
chip_gen: v7x
topology: tpu7x:2x2x1
jax: 0.10.2.dev20260603
libtpu: 0.0.44.dev20260713+nightly
codegen_flags: <defaults>
</compile_context>

<pallas_src>
import functools
import math

import jax
import jax.numpy as jnp
from jax import lax
from jax.experimental import pallas as pl
from jax.experimental.pallas import tpu as pltpu
from jax.experimental.pallas import tpu_sc as plsc

EPS = 1e-5
TN = 16
KB = 160
MAXB = 3
RB = 256
SC_CH = 128
SC_NW = 32


def _ln(v, g, b):
    m = jnp.mean(v, axis=-1, keepdims=True)
    var = jnp.mean((v - m) * (v - m), axis=-1, keepdims=True)
    return (v - m) * lax.rsqrt(var + EPS) * g + b


def _gelu(v):
    return 0.5 * v * (1.0 + lax.erf(v * 0.7071067811865476))



def _stage_a_body(x_ref, ing_ref, inb_ref, l1w_ref, l1b_ref, amg_ref, amb_ref,
                  axg_ref, axb_ref, m1w_ref, m1b_ref, mtg_ref, mtb_ref,
                  m2w_ref, m2b_ref, x1_ref, tab_ref, *, n_valid):
    t = pl.program_id(0)
    h = _ln(x_ref[...], ing_ref[...], inb_ref[...])
    x1 = lax.dot_general(h, l1w_ref[...], (((1,), (1,)), ((), ())),
                         preferred_element_type=jnp.float32) + l1b_ref[...]
    row = t * RB + lax.broadcasted_iota(jnp.int32, (RB, 1), 0)
    x1 = jnp.where(row < n_valid, x1, 0.0)
    d_mlp = _gelu(_ln(x1, amg_ref[...], amb_ref[...]))
    tm = lax.dot_general(d_mlp, m1w_ref[...], (((1,), (1,)), ((), ())),
                         preferred_element_type=jnp.float32) + m1b_ref[...]
    tm = _gelu(_ln(tm, mtg_ref[...], mtb_ref[...]))
    w1 = lax.dot_general(tm, m2w_ref[...], (((1,), (1,)), ((), ())),
                         preferred_element_type=jnp.float32) + m2b_ref[...]
    d_mix = _gelu(_ln(x1, axg_ref[...], axb_ref[...]))
    x1_ref[...] = x1
    tab_ref[...] = jnp.concatenate(
        [w1, jnp.zeros((RB, 64), jnp.float32), d_mix], axis=1)



def _sc_gather_body(tab_ref, src_ref, out_ref, idx_v, rows0, rows1, gs0, gs1,
                    ws0, ws1, *, chunks_pw):
    wid = lax.axis_index("s") * 2 + lax.axis_index("c")
    base = wid * chunks_pw
    pltpu.sync_copy(src_ref.at[pl.ds(base, chunks_pw)], idx_v)
    npairs = chunks_pw // 2

    def gath(j, buf, sem):
        return pltpu.make_async_copy(tab_ref.at[idx_v.at[j]], buf, sem)

    def wr(j, buf, sem):
        return pltpu.make_async_copy(
            buf, out_ref.at[pl.ds((base + j) * SC_CH, SC_CH)], sem)

    if npairs >= 1:
        gath(0, rows0, gs0).start()
        gath(1, rows1, gs1).start()

    def body(k, _):
        j0 = 2 * k
        gath(j0, rows0, gs0).wait()
        wr(j0, rows0, ws0).start()
        gath(j0 + 1, rows1, gs1).wait()
        wr(j0 + 1, rows1, ws1).start()
        wr(j0, rows0, ws0).wait()
        gath(j0 + 2, rows0, gs0).start()
        wr(j0 + 1, rows1, ws1).wait()
        gath(j0 + 3, rows1, gs1).start()
        return 0

    if npairs >= 1:
        lax.fori_loop(0, npairs - 1, body, 0)
        j0 = 2 * (npairs - 1)
        gath(j0, rows0, gs0).wait()
        wr(j0, rows0, ws0).start()
        gath(j0 + 1, rows1, gs1).wait()
        wr(j0 + 1, rows1, ws1).start()
        wr(j0, rows0, ws0).wait()
        wr(j0 + 1, rows1, ws1).wait()
    if chunks_pw % 2:
        j = chunks_pw - 1
        gath(j, rows0, gs0).start()
        gath(j, rows0, gs0).wait()
        pltpu.sync_copy(rows0, out_ref.at[pl.ds((base + j) * SC_CH, SC_CH)])


def _sc_gather(table, src_p, EP, width, chunks_pw):
    mesh = plsc.VectorSubcoreMesh(core_axis_name="c", subcore_axis_name="s")
    return pl.kernel(
        functools.partial(_sc_gather_body, chunks_pw=chunks_pw),
        mesh=mesh,
        out_type=jax.ShapeDtypeStruct((EP, width), jnp.float32),
        scratch_types=[
            pltpu.VMEM((chunks_pw, SC_CH), jnp.int32),
            pltpu.VMEM((SC_CH, width), jnp.float32),
            pltpu.VMEM((SC_CH, width), jnp.float32),
            pltpu.SemaphoreType.DMA,
            pltpu.SemaphoreType.DMA,
            pltpu.SemaphoreType.DMA,
            pltpu.SemaphoreType.DMA,
        ],
    )(table, src_p)



def _stage_c_body(st_ref, gw0, gw1, gw2, dw0, dw1, dw2, gany, dany, x1b, npadb, pad8,
                  invdb, tmgb, tmbb, l2wb, l2bb, out_ref,
                  ebuf, dbuf, act, w1s, sem1, sem2):
    t = pl.program_id(0)
    n0 = t * TN
    s = st_ref[t]
    e = st_ref[t + 1]

    def wide(w, dm, dn, rows):
        wb = w.astype(jnp.bfloat16)
        colg = lax.broadcasted_iota(jnp.int32, (rows, TN * 64), 1) // 64
        wm = jnp.where(colg == dn, jnp.concatenate([wb] * TN, axis=1),
                       jnp.zeros((), jnp.bfloat16))
        acc = lax.dot_general(wm, dm.astype(jnp.bfloat16),
                              (((0,), (0,)), ((), ())),
                              preferred_element_type=jnp.float32)
        oh = (dn == lax.broadcasted_iota(jnp.int32, (rows, TN), 1)
              ).astype(jnp.bfloat16)
        s16 = lax.dot_general(oh, wb, (((0,), (0,)), ((), ())),
                              preferred_element_type=jnp.float32)
        return s16, acc

    blk = jnp.concatenate([gw0[...], gw1[...], gw2[...]], axis=0)
    dn3 = jnp.concatenate([dw0[...], dw1[...], dw2[...]], axis=0) - n0
    s16, acc0 = wide(blk[:, 0:64], blk[:, 128:256], dn3, MAXB * KB)

    npad = npadb[0]
    vn = lax.broadcasted_iota(jnp.int32, (TN, 1), 0)
    padw = pad8[:, 0:64] * npad
    _, accp = wide(padw, pad8[:, 128:256], vn, TN)
    act[...] = acc0 + accp
    w1s[...] = s16 + padw

    cov = (s // KB + MAXB) * KB
    nextra = lax.max((e - cov + KB - 1) // KB, 0)

    def extra(c, _):
        off = cov + c * KB
        cp1 = pltpu.make_async_copy(gany.at[pl.ds(off, KB), :], ebuf, sem1)
        cp2 = pltpu.make_async_copy(dany.at[pl.ds(off, KB), :], dbuf, sem2)
        cp1.start()
        cp2.start()
        cp1.wait()
        cp2.wait()
        eblk = ebuf[...]
        es, eacc = wide(eblk[:, 0:64], eblk[:, 128:256], dbuf[...] - n0, KB)
        act[...] += eacc
        w1s[...] += es
        return 0

    lax.fori_loop(0, nextra, extra, 0)

    invd = invdb[0, 0]
    w1tot = w1s[...] * invd
    g = _gelu(act[...])
    colg = lax.broadcasted_iota(jnp.int32, (TN, TN * 64), 1) // 64
    rowi = lax.broadcasted_iota(jnp.int32, (TN, TN * 64), 0)
    wblk = jnp.where(colg == rowi, jnp.concatenate([w1tot] * TN, axis=1), 0.0)
    y = lax.dot_general(wblk, g, (((1,), (0,)), ((), ())),
                        preferred_element_type=jnp.float32)

    cat = jnp.concatenate([x1b[...], y], axis=1)
    z = _gelu(_ln(cat, tmgb[...], tmbb[...]))
    o = lax.dot_general(z, l2wb[...], (((1,), (1,)), ((), ())),
                        preferred_element_type=jnp.float32) + l2bb[...]
    mx = jnp.max(o, axis=1, keepdims=True)
    om = o - mx
    out_ref[...] = om - jnp.log(jnp.sum(jnp.exp(om), axis=1, keepdims=True))


def kernel(x, edge_index, in_g, in_b, l1_w, l1_b, a_mlp_g, a_mlp_b, a_mix_g,
           a_mix_b, m1_w, m1_b, m_tr_g, m_tr_b, m2_w, m2_b, tm_g, tm_b,
           l2_w, l2_b):
    N, D = x.shape
    E = edge_index.shape[1]
    HID = l1_w.shape[0]
    MIX = m2_w.shape[0]
    WTAB = 2 * HID
    f32 = jnp.float32

    NP = ((N + RB - 1) // RB) * RB + RB
    NT = N // TN
    epw_unit = (SC_CH * (KB // math.gcd(KB, SC_NW))
                // math.gcd(SC_CH, KB // math.gcd(KB, SC_NW)))
    EPW = ((E + SC_NW * epw_unit - 1) // (SC_NW * epw_unit)) * epw_unit
    while EPW * SC_NW < E + MAXB * KB:
        EPW += epw_unit
    EP = EPW * SC_NW
    chunks_pw = EPW // SC_CH

    nbits = max(int(N - 1).bit_length(), 1)
    if 2 * nbits <= 31:
        keys = lax.sort((edge_index[1] << nbits) | edge_index[0])
        dst_s = keys >> nbits
        src_s = keys & ((1 << nbits) - 1)
    else:
        dst_s, src_s = lax.sort((edge_index[1], edge_index[0]), num_keys=1)
    counts_i = jnp.zeros((N,), jnp.int32).at[edge_index[1]].add(1)
    offsets = jnp.concatenate(
        [jnp.zeros((1,), jnp.int32), jnp.cumsum(counts_i, dtype=jnp.int32)])
    starts_t = offsets[::TN]
    counts = counts_i
    max_deg = jnp.max(counts)
    npad_col = (max_deg - counts).astype(f32).reshape(NT, TN, 1)
    invd = (1.0 / max_deg.astype(f32)).reshape(1, 1)
    src_p = jnp.concatenate(
        [src_s, jnp.full((EP - E,), N, jnp.int32)]).reshape(EP // SC_CH, SC_CH)
    dst_p = jnp.concatenate(
        [dst_s, jnp.full((EP - E,), jnp.int32(1 << 29))]).reshape(EP, 1)

    xp = jnp.zeros((NP, D), f32).at[:N].set(x)

    v2 = lambda a: a.reshape(1, -1)
    full = lambda shp: pl.BlockSpec(shp, lambda t: (0, 0))
    x1, table = pl.pallas_call(
        functools.partial(_stage_a_body, n_valid=N),
        grid=(NP // RB,),
        in_specs=[pl.BlockSpec((RB, D), lambda t: (t, 0))]
        + [full((1, D)), full((1, D)), full((HID, D)), full((1, HID)),
           full((1, HID)), full((1, HID)), full((1, HID)), full((1, HID)),
           full((HID, HID)), full((1, HID)), full((1, HID)), full((1, HID)),
           full((MIX, HID)), full((1, MIX))],
        out_specs=[pl.BlockSpec((RB, HID), lambda t: (t, 0)),
                   pl.BlockSpec((RB, WTAB), lambda t: (t, 0))],
        out_shape=[jax.ShapeDtypeStruct((NP, HID), f32),
                   jax.ShapeDtypeStruct((NP, WTAB), f32)],
    )(xp, v2(in_g), v2(in_b), l1_w, v2(l1_b), v2(a_mlp_g), v2(a_mlp_b),
      v2(a_mix_g), v2(a_mix_b), m1_w, v2(m1_b), v2(m_tr_g), v2(m_tr_b),
      m2_w, v2(m2_b))

    gath = _sc_gather(table, src_p, EP, WTAB, chunks_pw)

    pad8 = lax.slice(table, (N, 0), (N + TN, WTAB))
    win = lambda k: pl.BlockSpec((KB, WTAB),
                                 lambda t, st: (st[t] // KB + k, 0))
    dwin = lambda k: pl.BlockSpec((KB, 1), lambda t, st: (st[t] // KB + k, 0))
    grid_spec = pltpu.PrefetchScalarGridSpec(
        num_scalar_prefetch=1,
        grid=(NT,),
        in_specs=[
            win(0), win(1), win(2), dwin(0), dwin(1), dwin(2),
            pl.BlockSpec(memory_space=pl.ANY),
            pl.BlockSpec(memory_space=pl.ANY),
            pl.BlockSpec((TN, HID), lambda t, st: (t, 0)),
            pl.BlockSpec((1, TN, 1), lambda t, st: (t, 0, 0)),
            pl.BlockSpec((TN, WTAB), lambda t, st: (0, 0)),
            pl.BlockSpec(memory_space=pltpu.MemorySpace.SMEM),
            pl.BlockSpec((1, 2 * HID), lambda t, st: (0, 0)),
            pl.BlockSpec((1, 2 * HID), lambda t, st: (0, 0)),
            pl.BlockSpec((D, 2 * HID), lambda t, st: (0, 0)),
            pl.BlockSpec((1, D), lambda t, st: (0, 0)),
        ],
        out_specs=pl.BlockSpec((TN, D), lambda t, st: (t, 0)),
        scratch_shapes=[
            pltpu.VMEM((KB, WTAB), f32),
            pltpu.VMEM((KB, 1), jnp.int32),
            pltpu.VMEM((TN * MIX, HID), f32),
            pltpu.VMEM((TN, MIX), f32),
            pltpu.SemaphoreType.DMA,
            pltpu.SemaphoreType.DMA,
        ],
    )
    out = pl.pallas_call(
        _stage_c_body,
        grid_spec=grid_spec,
        out_shape=jax.ShapeDtypeStruct((N, D), f32),
    )(starts_t, gath, gath, gath, dst_p, dst_p, dst_p, gath, dst_p, x1,
      npad_col, pad8, invd, v2(tm_g), v2(tm_b), l2_w, v2(l2_b))
    return out

# --- scband reference (transcript-rebuilt; emitter-appended) ---
"""Pipeline reference for scband-hyper-conv-mixer-90228672954899 (READ-ONLY COPY).

The authoritative reference and input builder live on the scoring server;
editing this copy changes nothing except your own understanding.
"""

import jax, jax.numpy as jnp
import numpy as np

EPS = 1e-5

def layer_norm(x, g, b):
    m = jnp.mean(x, axis=-1, keepdims=True)
    v = jnp.var(x, axis=-1, keepdims=True)
    return (x - m) / jnp.sqrt(v + EPS) * g + b

def gelu(x):
    return jax.nn.gelu(x, approximate=False)

def setup_inputs(seed: int = 0):
    key = jax.random.key(seed)
    N, E, D, HID, MIX = 10000, 160000, 128, 128, 64
    ks = jax.random.split(key, 8)
    s = 0.05
    inp = {}
    inp["x"] = jax.random.normal(ks[0], (N, D), dtype=jnp.float32)
    inp["edge_index"] = jax.random.randint(ks[1], (2, E), 0, N, dtype=jnp.int32)
    inp["in_g"] = jnp.ones((D,), jnp.float32)
    inp["in_b"] = jnp.zeros((D,), jnp.float32)
    inp["l1_w"] = jax.random.normal(ks[2], (HID, D), jnp.float32) * s
    inp["l1_b"] = jnp.zeros((HID,), jnp.float32)
    inp["a_mlp_g"] = jnp.ones((HID,), jnp.float32)
    inp["a_mlp_b"] = jnp.zeros((HID,), jnp.float32)
    inp["a_mix_g"] = jnp.ones((HID,), jnp.float32)
    inp["a_mix_b"] = jnp.zeros((HID,), jnp.float32)
    inp["m1_w"] = jax.random.normal(ks[3], (HID, HID), jnp.float32) * s
    inp["m1_b"] = jnp.zeros((HID,), jnp.float32)
    inp["m_tr_g"] = jnp.ones((HID,), jnp.float32)
    inp["m_tr_b"] = jnp.zeros((HID,), jnp.float32)
    inp["m2_w"] = jax.random.normal(ks[4], (MIX, HID), jnp.float32) * s
    inp["m2_b"] = jnp.zeros((MIX,), jnp.float32)
    inp["tm_g"] = jnp.ones((2 * HID,), jnp.float32)
    inp["tm_b"] = jnp.zeros((2 * HID,), jnp.float32)
    inp["l2_w"] = jax.random.normal(ks[5], (D, 2 * HID), jnp.float32) * s
    inp["l2_b"] = jnp.zeros((D,), jnp.float32)
    return inp

def reference(x, edge_index, in_g, in_b, l1_w, l1_b, a_mlp_g, a_mlp_b, a_mix_g, a_mix_b, m1_w, m1_b, m_tr_g, m_tr_b, m2_w, m2_b, tm_g, tm_b, l2_w, l2_b):
    N = x.shape[0]
    src0, dst0 = edge_index[0], edge_index[1]
    # sort_edge_index(sort_by_row=False): sort edges by dst (then src); output invariant to within-group order
    order = jnp.lexsort((src0, dst0))
    src = src0[order]
    dst = dst0[order]
    # input LayerNorm (norm_in=True), dropouts are 0 -> identity
    h = layer_norm(x, in_g, in_b)
    # HyperConv.forward_s
    x1 = h @ l1_w.T + l1_b
    # propagate: message = x_j = x1[src], aggregate by dst via HyperAggregation
    msgs = x1[src]
    counts = jnp.bincount(dst, length=N)
    max_deg = counts.max()
    # HyperAggregation: all per-l rows of the dense batch pass through row-wise
    # LayerNorm/MLP ops; padding rows are identical zero rows, and the l-reductions
    # (einsum for act, mean for y) are linear, so the dense batch decomposes into
    # per-edge segment sums plus (max_deg - counts) copies of the padding-row term.
    d_mlp = gelu(layer_norm(msgs, a_mlp_g, a_mlp_b))
    t = gelu(layer_norm(d_mlp @ m1_w.T + m1_b, m_tr_g, m_tr_b))
    W1 = t @ m2_w.T + m2_b
    d_mix = gelu(layer_norm(msgs, a_mix_g, a_mix_b))
    pad = jnp.zeros((1, msgs.shape[1]), msgs.dtype)
    p_mlp = gelu(layer_norm(pad, a_mlp_g, a_mlp_b))
    p_t = gelu(layer_norm(p_mlp @ m1_w.T + m1_b, m_tr_g, m_tr_b))
    pW1 = p_t @ m2_w.T + m2_b
    p_mix = gelu(layer_norm(pad, a_mix_g, a_mix_b))
    npad = (max_deg - counts).astype(msgs.dtype)
    outer_e = jnp.einsum('em,eh->emh', W1, d_mix)
    act = jnp.zeros((N, W1.shape[1], msgs.shape[1]), msgs.dtype).at[dst].add(outer_e)
    act = act + npad[:, None, None] * (pW1[0, :, None] * p_mix[0, None, :])
    W1sum = jnp.zeros((N, W1.shape[1]), msgs.dtype).at[dst].add(W1)
    W1sum = W1sum + npad[:, None] * pW1[0]
    y = jnp.einsum('nm,nmh->nh', W1sum, gelu(act)) / max_deg.astype(msgs.dtype)
    # skip_mix: cat(x1, y) -> Trans(tr_mid) -> l2
    z = gelu(layer_norm(jnp.concatenate([x1, y], axis=-1), tm_g, tm_b))
    out = z @ l2_w.T + l2_b
    return jax.nn.log_softmax(out, axis=1)

if __name__ == "__main__":
    import jax
    _d = setup_inputs()
    print(jax.jit(kernel)(*tuple(_d.values())))

</pallas_src>

<mosaic_0001>
#map = affine_map<(d0, d1) -> (0, 0)>
module attributes {stable_mosaic.version = 14 : i64} {
  func.func @_sc_gather_body(%arg0: i32, %arg1: i32, %arg2: memref<10496x256xf32, #tpu.memory_space<hbm>>, %arg3: memref<1280x128xi32, #tpu.memory_space<hbm>>, %arg4: memref<163840x256xf32, #tpu.memory_space<hbm>>, %arg5: memref<40x128xi32, #tpu.memory_space<vmem>>, %arg6: memref<128x256xf32, #tpu.memory_space<vmem>>, %arg7: memref<128x256xf32, #tpu.memory_space<vmem>>, %arg8: memref<!tpu.dma_semaphore, #tpu.memory_space<semaphore_mem>>, %arg9: memref<!tpu.dma_semaphore, #tpu.memory_space<semaphore_mem>>, %arg10: memref<!tpu.dma_semaphore, #tpu.memory_space<semaphore_mem>>, %arg11: memref<!tpu.dma_semaphore, #tpu.memory_space<semaphore_mem>>) attributes {dimension_semantics = [#tpu.dimension_semantics<core_parallel>, #tpu.dimension_semantics<subcore_parallel>], iteration_bounds = array<i64: 2, 16>, scalar_prefetch = 0 : i64, scratch_operands = 7 : i64, tpu.core_type = #tpu.core_type<sc_vector_subcore>, window_params = [{transform_indices = #map}, {transform_indices = #map}, {transform_indices = #map}]} {
    %mul3A = arith.constant 2 : i32
    %mul3A_0 = arith.muli %arg1, %mul3A : i32
    %add3A = arith.addi %mul3A_0, %arg0 : i32
    %mul3A_1 = arith.constant 40 : i32
    %mul3A_2 = arith.muli %add3A, %mul3A_1 : i32
    "tpu.region"() ({
      %run_scoped3A = tpu.sem_alloc : memref<!tpu.dma_semaphore, #tpu.memory_space<semaphore_mem>>
      %dma_start3A_67 = arith.constant 0 : i32
      %dma_start3A_68 = tpu.memref_slice %arg3[%mul3A_2, %dma_start3A_67] : memref<1280x128xi32, #tpu.memory_space<hbm>> -> memref<40x128xi32, #tpu.memory_space<hbm>>
      %dma_start3A_69 = arith.constant 0 : i32
      %dma_start3A_70 = tpu.memref_slice %arg3[%mul3A_2, %dma_start3A_69] : memref<1280x128xi32, #tpu.memory_space<hbm>> -> memref<40x128xi32, #tpu.memory_space<hbm>>
      tpu.enqueue_dma source(%dma_start3A_70 : memref<40x128xi32, #tpu.memory_space<hbm>>) target(%arg5 : memref<40x128xi32, #tpu.memory_space<vmem>>) target_semaphore(%run_scoped3A : memref<!tpu.dma_semaphore, #tpu.memory_space<semaphore_mem>>)
      %dma_wait3A_71 = arith.constant 0 : i32
      %dma_wait3A_72 = tpu.memref_slice %arg3[%mul3A_2, %dma_wait3A_71] : memref<1280x128xi32, #tpu.memory_space<hbm>> -> memref<40x128xi32, #tpu.memory_space<hbm>>
      %dma_wait3A_73 = arith.constant 0 : i32
      %dma_wait3A_74 = tpu.memref_slice %arg3[%mul3A_2, %dma_wait3A_73] : memref<1280x128xi32, #tpu.memory_space<hbm>> -> memref<40x128xi32, #tpu.memory_space<hbm>>
      tpu.wait_dma2 semaphore(%run_scoped3A : memref<!tpu.dma_semaphore, #tpu.memory_space<semaphore_mem>>) src(%dma_wait3A_74 : memref<40x128xi32, #tpu.memory_space<hbm>>) dst(%arg5 : memref<40x128xi32, #tpu.memory_space<vmem>>)
      tpu.yield
    }) : () -> ()
    %dma_start3A = arith.constant 0 : i32
    %dma_start3A_3 = arith.constant 0 : i32
    %dma_start3A_4 = tpu.memref_slice %arg5[%dma_start3A, %dma_start3A_3] : memref<40x128xi32, #tpu.memory_space<vmem>> -> memref<1x128xi32, #tpu.memory_space<vmem>>
    %dma_start3A_5 = tpu.memref_squeeze %dma_start3A_4 : memref<1x128xi32, #tpu.memory_space<vmem>> -> memref<128xi32, #tpu.memory_space<vmem>>
    %dma_start3A_6 = arith.constant 0 : i32
    %dma_start3A_7 = arith.constant 0 : i32
    %dma_start3A_8 = tpu.memref_slice %arg2[%dma_start3A_6, %dma_start3A_7] : memref<10496x256xf32, #tpu.memory_space<hbm>> -> memref<10496x256xf32, #tpu.memory_space<hbm>>
    tpu.enqueue_indirect_dma source(%dma_start3A_8 : memref<10496x256xf32, #tpu.memory_space<hbm>>) target(%arg6 : memref<128x256xf32, #tpu.memory_space<vmem>>) offsets(%dma_start3A_5 : memref<128xi32, #tpu.memory_space<vmem>>) semaphore(%arg8 : memref<!tpu.dma_semaphore, #tpu.memory_space<semaphore_mem>>)
    %dma_start3A_9 = arith.constant 1 : i32
    %dma_start3A_10 = arith.constant 0 : i32
    %dma_start3A_11 = tpu.memref_slice %arg5[%dma_start3A_9, %dma_start3A_10] : memref<40x128xi32, #tpu.memory_space<vmem>> -> memref<1x128xi32, #tpu.memory_space<vmem>>
    %dma_start3A_12 = tpu.memref_squeeze %dma_start3A_11 : memref<1x128xi32, #tpu.memory_space<vmem>> -> memref<128xi32, #tpu.memory_space<vmem>>
    %dma_start3A_13 = arith.constant 0 : i32
    %dma_start3A_14 = arith.constant 0 : i32
    %dma_start3A_15 = tpu.memref_slice %arg2[%dma_start3A_13, %dma_start3A_14] : memref<10496x256xf32, #tpu.memory_space<hbm>> -> memref<10496x256xf32, #tpu.memory_space<hbm>>
    tpu.enqueue_indirect_dma source(%dma_start3A_15 : memref<10496x256xf32, #tpu.memory_space<hbm>>) target(%arg7 : memref<128x256xf32, #tpu.memory_space<vmem>>) offsets(%dma_start3A_12 : memref<128xi32, #tpu.memory_space<vmem>>) semaphore(%arg9 : memref<!tpu.dma_semaphore, #tpu.memory_space<semaphore_mem>>)
    %scan3A = arith.constant 0 : i32
    %scan3A_16 = arith.constant 0 : i32
    %scan3A_17 = arith.constant 19 : i32
    %scan3A_18 = arith.addi %scan3A_16, %scan3A_17 : i32
    %scan3A_19 = arith.constant 1 : i32
    %scan3A_20 = scf.for %scan3A_67 = %scan3A_16 to %scan3A_18 step %scan3A_19 iter_args(%scan3A_68 = %scan3A) -> (i32)  : i32 {
      %mul3A_69 = arith.constant 2 : i32
      %mul3A_70 = arith.muli %mul3A_69, %scan3A_67 : i32
      %dma_wait3A_71 = arith.constant 0 : i32
      %dma_wait3A_72 = tpu.memref_slice %arg5[%mul3A_70, %dma_wait3A_71] : memref<40x128xi32, #tpu.memory_space<vmem>> -> memref<1x128xi32, #tpu.memory_space<vmem>>
      %dma_wait3A_73 = tpu.memref_squeeze %dma_wait3A_72 : memref<1x128xi32, #tpu.memory_space<vmem>> -> memref<128xi32, #tpu.memory_space<vmem>>
      %dma_wait3A_74 = arith.constant 0 : i32
      %dma_wait3A_75 = arith.constant 0 : i32
      %dma_wait3A_76 = tpu.memref_slice %arg2[%dma_wait3A_74, %dma_wait3A_75] : memref<10496x256xf32, #tpu.memory_space<hbm>> -> memref<10496x256xf32, #tpu.memory_space<hbm>>
      tpu.wait_indirect_dma semaphore(%arg8 : memref<!tpu.dma_semaphore, #tpu.memory_space<semaphore_mem>>) src(%dma_wait3A_76 : memref<10496x256xf32, #tpu.memory_space<hbm>>) dst(%arg6 : memref<128x256xf32, #tpu.memory_space<vmem>>)
      %add3A_77 = arith.addi %mul3A_2, %mul3A_70 : i32
      %mul3A_78 = arith.constant 128 : i32
      %mul3A_79 = arith.muli %add3A_77, %mul3A_78 : i32
      %dma_start3A_80 = arith.constant 0 : i32
      %dma_start3A_81 = tpu.memref_slice %arg4[%mul3A_79, %dma_start3A_80] : memref<163840x256xf32, #tpu.memory_space<hbm>> -> memref<128x256xf32, #tpu.memory_space<hbm>>
      %dma_start3A_82 = arith.constant 0 : i32
      %dma_start3A_83 = tpu.memref_slice %arg4[%mul3A_79, %dma_start3A_82] : memref<163840x256xf32, #tpu.memory_space<hbm>> -> memref<128x256xf32, #tpu.memory_space<hbm>>
      tpu.enqueue_dma source(%arg6 : memref<128x256xf32, #tpu.memory_space<vmem>>) target(%dma_start3A_83 : memref<128x256xf32, #tpu.memory_space<hbm>>) target_semaphore(%arg10 : memref<!tpu.dma_semaphore, #tpu.memory_space<semaphore_mem>>)
      %add3A_84 = arith.constant 1 : i32
      %add3A_85 = arith.addi %mul3A_70, %add3A_84 : i32
      %dma_wait3A_86 = arith.constant 0 : i32
      %dma_wait3A_87 = tpu.memref_slice %arg5[%add3A_85, %dma_wait3A_86] : memref<40x128xi32, #tpu.memory_space<vmem>> -> memref<1x128xi32, #tpu.memory_space<vmem>>
      %dma_wait3A_88 = tpu.memref_squeeze %dma_wait3A_87 : memref<1x128xi32, #tpu.memory_space<vmem>> -> memref<128xi32, #tpu.memory_space<vmem>>
      %dma_wait3A_89 = arith.constant 0 : i32
      %dma_wait3A_90 = arith.constant 0 : i32
      %dma_wait3A_91 = tpu.memref_slice %arg2[%dma_wait3A_89, %dma_wait3A_90] : memref<10496x256xf32, #tpu.memory_space<hbm>> -> memref<10496x256xf32, #tpu.memory_space<hbm>>
      tpu.wait_indirect_dma semaphore(%arg9 : memref<!tpu.dma_semaphore, #tpu.memory_space<semaphore_mem>>) src(%dma_wait3A_91 : memref<10496x256xf32, #tpu.memory_space<hbm>>) dst(%arg7 : memref<128x256xf32, #tpu.memory_space<vmem>>)
      %add3A_92 = arith.constant 1 : i32
      %add3A_93 = arith.addi %mul3A_70, %add3A_92 : i32
      %add3A_94 = arith.addi %mul3A_2, %add3A_93 : i32
      %mul3A_95 = arith.constant 128 : i32
      %mul3A_96 = arith.muli %add3A_94, %mul3A_95 : i32
      %dma_start3A_97 = arith.constant 0 : i32
      %dma_start3A_98 = tpu.memref_slice %arg4[%mul3A_96, %dma_start3A_97] : memref<163840x256xf32, #tpu.memory_space<hbm>> -> memref<128x256xf32, #tpu.memory_space<hbm>>
      %dma_start3A_99 = arith.constant 0 : i32
      %dma_start3A_100 = tpu.memref_slice %arg4[%mul3A_96, %dma_start3A_99] : memref<163840x256xf32, #tpu.memory_space<hbm>> -> memref<128x256xf32, #tpu.memory_space<hbm>>
      tpu.enqueue_dma source(%arg7 : memref<128x256xf32, #tpu.memory_space<vmem>>) target(%dma_start3A_100 : memref<128x256xf32, #tpu.memory_space<hbm>>) target_semaphore(%arg11 : memref<!tpu.dma_semaphore, #tpu.memory_space<semaphore_mem>>)
      %add3A_101 = arith.addi %mul3A_2, %mul3A_70 : i32
      %mul3A_102 = arith.constant 128 : i32
      %mul3A_103 = arith.muli %add3A_101, %mul3A_102 : i32
      %dma_wait3A_104 = arith.constant 0 : i32
      %dma_wait3A_105 = tpu.memref_slice %arg4[%mul3A_103, %dma_wait3A_104] : memref<163840x256xf32, #tpu.memory_space<hbm>> -> memref<128x256xf32, #tpu.memory_space<hbm>>
      %dma_wait3A_106 = arith.constant 0 : i32
      %dma_wait3A_107 = tpu.memref_slice %arg4[%mul3A_103, %dma_wait3A_106] : memref<163840x256xf32, #tpu.memory_space<hbm>> -> memref<128x256xf32, #tpu.memory_space<hbm>>
      tpu.wait_dma2 semaphore(%arg10 : memref<!tpu.dma_semaphore, #tpu.memory_space<semaphore_mem>>) src(%arg6 : memref<128x256xf32, #tpu.memory_space<vmem>>) dst(%dma_wait3A_107 : memref<128x256xf32, #tpu.memory_space<hbm>>)
      %add3A_108 = arith.constant 2 : i32
      %add3A_109 = arith.addi %mul3A_70, %add3A_108 : i32
      %dma_start3A_110 = arith.constant 0 : i32
      %dma_start3A_111 = tpu.memref_slice %arg5[%add3A_109, %dma_start3A_110] : memref<40x128xi32, #tpu.memory_space<vmem>> -> memref<1x128xi32, #tpu.memory_space<vmem>>
      %dma_start3A_112 = tpu.memref_squeeze %dma_start3A_111 : memref<1x128xi32, #tpu.memory_space<vmem>> -> memref<128xi32, #tpu.memory_space<vmem>>
      %dma_start3A_113 = arith.constant 0 : i32
      %dma_start3A_114 = arith.constant 0 : i32
      %dma_start3A_115 = tpu.memref_slice %arg2[%dma_start3A_113, %dma_start3A_114] : memref<10496x256xf32, #tpu.memory_space<hbm>> -> memref<10496x256xf32, #tpu.memory_space<hbm>>
      tpu.enqueue_indirect_dma source(%dma_start3A_115 : memref<10496x256xf32, #tpu.memory_space<hbm>>) target(%arg6 : memref<128x256xf32, #tpu.memory_space<vmem>>) offsets(%dma_start3A_112 : memref<128xi32, #tpu.memory_space<vmem>>) semaphore(%arg8 : memref<!tpu.dma_semaphore, #tpu.memory_space<semaphore_mem>>)
      %add3A_116 = arith.constant 1 : i32
      %add3A_117 = arith.addi %mul3A_70, %add3A_116 : i32
      %add3A_118 = arith.addi %mul3A_2, %add3A_117 : i32
      %mul3A_119 = arith.constant 128 : i32
      %mul3A_120 = arith.muli %add3A_118, %mul3A_119 : i32
      %dma_wait3A_121 = arith.constant 0 : i32
      %dma_wait3A_122 = tpu.memref_slice %arg4[%mul3A_120, %dma_wait3A_121] : memref<163840x256xf32, #tpu.memory_space<hbm>> -> memref<128x256xf32, #tpu.memory_space<hbm>>
      %dma_wait3A_123 = arith.constant 0 : i32
      %dma_wait3A_124 = tpu.memref_slice %arg4[%mul3A_120, %dma_wait3A_123] : memref<163840x256xf32, #tpu.memory_space<hbm>> -> memref<128x256xf32, #tpu.memory_space<hbm>>
      tpu.wait_dma2 semaphore(%arg11 : memref<!tpu.dma_semaphore, #tpu.memory_space<semaphore_mem>>) src(%arg7 : memref<128x256xf32, #tpu.memory_space<vmem>>) dst(%dma_wait3A_124 : memref<128x256xf32, #tpu.memory_space<hbm>>)
      %add3A_125 = arith.constant 3 : i32
      %add3A_126 = arith.addi %mul3A_70, %add3A_125 : i32
      %dma_start3A_127 = arith.constant 0 : i32
      %dma_start3A_128 = tpu.memref_slice %arg5[%add3A_126, %dma_start3A_127] : memref<40x128xi32, #tpu.memory_space<vmem>> -> memref<1x128xi32, #tpu.memory_space<vmem>>
      %dma_start3A_129 = tpu.memref_squeeze %dma_start3A_128 : memref<1x128xi32, #tpu.memory_space<vmem>> -> memref<128xi32, #tpu.memory_space<vmem>>
      %dma_start3A_130 = arith.constant 0 : i32
      %dma_start3A_131 = arith.constant 0 : i32
      %dma_start3A_132 = tpu.memref_slice %arg2[%dma_start3A_130, %dma_start3A_131] : memref<10496x256xf32, #tpu.memory_space<hbm>> -> memref<10496x256xf32, #tpu.memory_space<hbm>>
      tpu.enqueue_indirect_dma source(%dma_start3A_132 : memref<10496x256xf32, #tpu.memory_space<hbm>>) target(%arg7 : memref<128x256xf32, #tpu.memory_space<vmem>>) offsets(%dma_start3A_129 : memref<128xi32, #tpu.memory_space<vmem>>) semaphore(%arg9 : memref<!tpu.dma_semaphore, #tpu.memory_space<semaphore_mem>>)
      %scan3A_133 = arith.constant 0 : i32
      scf.yield %scan3A_133 : i32
    }
    %scan3A_21 = arith.constant 19 : i32
    %dma_wait3A = arith.constant 38 : i32
    %dma_wait3A_22 = arith.constant 0 : i32
    %dma_wait3A_23 = tpu.memref_slice %arg5[%dma_wait3A, %dma_wait3A_22] : memref<40x128xi32, #tpu.memory_space<vmem>> -> memref<1x128xi32, #tpu.memory_space<vmem>>
    %dma_wait3A_24 = tpu.memref_squeeze %dma_wait3A_23 : memref<1x128xi32, #tpu.memory_space<vmem>> -> memref<128xi32, #tpu.memory_space<vmem>>
    %dma_wait3A_25 = arith.constant 0 : i32
    %dma_wait3A_26 = arith.constant 0 : i32
    %dma_wait3A_27 = tpu.memref_slice %arg2[%dma_wait3A_25, %dma_wait3A_26] : memref<10496x256xf32, #tpu.memory_space<hbm>> -> memref<10496x256xf32, #tpu.memory_space<hbm>>
    tpu.wait_indirect_dma semaphore(%arg8 : memref<!tpu.dma_semaphore, #tpu.memory_space<semaphore_mem>>) src(%dma_wait3A_27 : memref<10496x256xf32, #tpu.memory_space<hbm>>) dst(%arg6 : memref<128x256xf32, #tpu.memory_space<vmem>>)
    %add3A_28 = arith.constant 38 : i32
    %add3A_29 = arith.addi %mul3A_2, %add3A_28 : i32
    %mul3A_30 = arith.constant 128 : i32
    %mul3A_31 = arith.muli %add3A_29, %mul3A_30 : i32
    %dma_start3A_32 = arith.constant 0 : i32
    %dma_start3A_33 = tpu.memref_slice %arg4[%mul3A_31, %dma_start3A_32] : memref<163840x256xf32, #tpu.memory_space<hbm>> -> memref<128x256xf32, #tpu.memory_space<hbm>>
    %dma_start3A_34 = arith.constant 0 : i32
    %dma_start3A_35 = tpu.memref_slice %arg4[%mul3A_31, %dma_start3A_34] : memref<163840x256xf32, #tpu.memory_space<hbm>> -> memref<128x256xf32, #tpu.memory_space<hbm>>
    tpu.enqueue_dma source(%arg6 : memref<128x256xf32, #tpu.memory_space<vmem>>) target(%dma_start3A_35 : memref<128x256xf32, #tpu.memory_space<hbm>>) target_semaphore(%arg10 : memref<!tpu.dma_semaphore, #tpu.memory_space<semaphore_mem>>)
    %dma_wait3A_36 = arith.constant 39 : i32
    %dma_wait3A_37 = arith.constant 0 : i32
    %dma_wait3A_38 = tpu.memref_slice %arg5[%dma_wait3A_36, %dma_wait3A_37] : memref<40x128xi32, #tpu.memory_space<vmem>> -> memref<1x128xi32, #tpu.memory_space<vmem>>
    %dma_wait3A_39 = tpu.memref_squeeze %dma_wait3A_38 : memref<1x128xi32, #tpu.memory_space<vmem>> -> memref<128xi32, #tpu.memory_space<vmem>>
    %dma_wait3A_40 = arith.constant 0 : i32
    %dma_wait3A_41 = arith.constant 0 : i32
    %dma_wait3A_42 = tpu.memref_slice %arg2[%dma_wait3A_40, %dma_wait3A_41] : memref<10496x256xf32, #tpu.memory_space<hbm>> -> memref<10496x256xf32, #tpu.memory_space<hbm>>
    tpu.wait_indirect_dma semaphore(%arg9 : memref<!tpu.dma_semaphore, #tpu.memory_space<semaphore_mem>>) src(%dma_wait3A_42 : memref<10496x256xf32, #tpu.memory_space<hbm>>) dst(%arg7 : memref<128x256xf32, #tpu.memory_space<vmem>>)
    %add3A_43 = arith.constant 39 : i32
    %add3A_44 = arith.addi %mul3A_2, %add3A_43 : i32
    %mul3A_45 = arith.constant 128 : i32
    %mul3A_46 = arith.muli %add3A_44, %mul3A_45 : i32
    %dma_start3A_47 = arith.constant 0 : i32
    %dma_start3A_48 = tpu.memref_slice %arg4[%mul3A_46, %dma_start3A_47] : memref<163840x256xf32, #tpu.memory_space<hbm>> -> memref<128x256xf32, #tpu.memory_space<hbm>>
    %dma_start3A_49 = arith.constant 0 : i32
    %dma_start3A_50 = tpu.memref_slice %arg4[%mul3A_46, %dma_start3A_49] : memref<163840x256xf32, #tpu.memory_space<hbm>> -> memref<128x256xf32, #tpu.memory_space<hbm>>
    tpu.enqueue_dma source(%arg7 : memref<128x256xf32, #tpu.memory_space<vmem>>) target(%dma_start3A_50 : memref<128x256xf32, #tpu.memory_space<hbm>>) target_semaphore(%arg11 : memref<!tpu.dma_semaphore, #tpu.memory_space<semaphore_mem>>)
    %add3A_51 = arith.constant 38 : i32
    %add3A_52 = arith.addi %mul3A_2, %add3A_51 : i32
    %mul3A_53 = arith.constant 128 : i32
    %mul3A_54 = arith.muli %add3A_52, %mul3A_53 : i32
    %dma_wait3A_55 = arith.constant 0 : i32
    %dma_wait3A_56 = tpu.memref_slice %arg4[%mul3A_54, %dma_wait3A_55] : memref<163840x256xf32, #tpu.memory_space<hbm>> -> memref<128x256xf32, #tpu.memory_space<hbm>>
    %dma_wait3A_57 = arith.constant 0 : i32
    %dma_wait3A_58 = tpu.memref_slice %arg4[%mul3A_54, %dma_wait3A_57] : memref<163840x256xf32, #tpu.memory_space<hbm>> -> memref<128x256xf32, #tpu.memory_space<hbm>>
    tpu.wait_dma2 semaphore(%arg10 : memref<!tpu.dma_semaphore, #tpu.memory_space<semaphore_mem>>) src(%arg6 : memref<128x256xf32, #tpu.memory_space<vmem>>) dst(%dma_wait3A_58 : memref<128x256xf32, #tpu.memory_space<hbm>>)
    %add3A_59 = arith.constant 39 : i32
    %add3A_60 = arith.addi %mul3A_2, %add3A_59 : i32
    %mul3A_61 = arith.constant 128 : i32
    %mul3A_62 = arith.muli %add3A_60, %mul3A_61 : i32
    %dma_wait3A_63 = arith.constant 0 : i32
    %dma_wait3A_64 = tpu.memref_slice %arg4[%mul3A_62, %dma_wait3A_63] : memref<163840x256xf32, #tpu.memory_space<hbm>> -> memref<128x256xf32, #tpu.memory_space<hbm>>
    %dma_wait3A_65 = arith.constant 0 : i32
    %dma_wait3A_66 = tpu.memref_slice %arg4[%mul3A_62, %dma_wait3A_65] : memref<163840x256xf32, #tpu.memory_space<hbm>> -> memref<128x256xf32, #tpu.memory_space<hbm>>
    tpu.wait_dma2 semaphore(%arg11 : memref<!tpu.dma_semaphore, #tpu.memory_space<semaphore_mem>>) src(%arg7 : memref<128x256xf32, #tpu.memory_space<vmem>>) dst(%dma_wait3A_66 : memref<128x256xf32, #tpu.memory_space<hbm>>)
    return
  }
}

module attributes {stable_mosaic.version = 14 : i64} {
  func.func @_stage_a_body(%arg0: i32, %arg1: memref<256x128xf32, #tpu.memory_space<vmem>>, %arg2: memref<1x128xf32, #tpu.memory_space<vmem>>, %arg3: memref<1x128xf32, #tpu.memory_space<vmem>>, %arg4: memref<128x128xf32, #tpu.memory_space<vmem>>, %arg5: memref<1x128xf32, #tpu.memory_space<vmem>>, %arg6: memref<1x128xf32, #tpu.memory_space<vmem>>, %arg7: memref<1x128xf32, #tpu.memory_space<vmem>>, %arg8: memref<1x128xf32, #tpu.memory_space<vmem>>, %arg9: memref<1x128xf32, #tpu.memory_space<vmem>>, %arg10: memref<128x128xf32, #tpu.memory_space<vmem>>, %arg11: memref<1x128xf32, #tpu.memory_space<vmem>>, %arg12: memref<1x128xf32, #tpu.memory_space<vmem>>, %arg13: memref<1x128xf32, #tpu.memory_space<vmem>>, %arg14: memref<64x128xf32, #tpu.memory_space<vmem>>, %arg15: memref<1x64xf32, #tpu.memory_space<vmem>>, %arg16: memref<256x128xf32, #tpu.memory_space<vmem>>, %arg17: memref<256x256xf32, #tpu.memory_space<vmem>>) attributes {dimension_semantics = [#tpu.dimension_semantics<arbitrary>], iteration_bounds = array<i64: 41>, scalar_prefetch = 0 : i64, scratch_operands = 0 : i64, tpu.core_type = #tpu.core_type<tc>, window_params = [{transform_indices = @transform_0, window_bounds = array<i64: 256, 128>}, {pipeline_mode = #tpu.pipeline_mode<synchronous>, transform_indices = @transform_1, window_bounds = array<i64: 1, 128>}, {pipeline_mode = #tpu.pipeline_mode<synchronous>, transform_indices = @transform_2, window_bounds = array<i64: 1, 128>}, {pipeline_mode = #tpu.pipeline_mode<synchronous>, transform_indices = @transform_3, window_bounds = array<i64: 128, 128>}, {pipeline_mode = #tpu.pipeline_mode<synchronous>, transform_indices = @transform_4, window_bounds = array<i64: 1, 128>}, {pipeline_mode = #tpu.pipeline_mode<synchronous>, transform_indices = @transform_5, window_bounds = array<i64: 1, 128>}, {pipeline_mode = #tpu.pipeline_mode<synchronous>, transform_indices = @transform_6, window_bounds = array<i64: 1, 128>}, {pipeline_mode = #tpu.pipeline_mode<synchronous>, transform_indices = @transform_7, window_bounds = array<i64: 1, 128>}, {pipeline_mode = #tpu.pipeline_mode<synchronous>, transform_indices = @transform_8, window_bounds = array<i64: 1, 128>}, {pipeline_mode = #tpu.pipeline_mode<synchronous>, transform_indices = @transform_9, window_bounds = array<i64: 128, 128>}, {pipeline_mode = #tpu.pipeline_mode<synchronous>, transform_indices = @transform_10, window_bounds = array<i64: 1, 128>}, {pipeline_mode = #tpu.pipeline_mode<synchronous>, transform_indices = @transform_11, window_bounds = array<i64: 1, 128>}, {pipeline_mode = #tpu.pipeline_mode<synchronous>, transform_indices = @transform_12, window_bounds = array<i64: 1, 128>}, {pipeline_mode = #tpu.pipeline_mode<synchronous>, transform_indices = @transform_13, window_bounds = array<i64: 64, 128>}, {pipeline_mode = #tpu.pipeline_mode<synchronous>, transform_indices = @transform_14, window_bounds = array<i64: 1, 64>}, {transform_indices = @transform_15, window_bounds = array<i64: 256, 128>}, {transform_indices = @transform_16, window_bounds = array<i64: 256, 256>}]} {
    %get3A = arith.constant 0 : index
    %get3A_0 = arith.constant 0 : index
    %get3A_1 = vector.load %arg1[%get3A, %get3A_0] : memref<256x128xf32, #tpu.memory_space<vmem>>, vector<256x128xf32>
    %get3A_2 = arith.constant 0 : index
    %get3A_3 = arith.constant 0 : index
    %get3A_4 = vector.load %arg2[%get3A_2, %get3A_3] : memref<1x128xf32, #tpu.memory_space<vmem>>, vector<1x128xf32>
    %get3A_5 = arith.constant 0 : index
    %get3A_6 = arith.constant 0 : index
    %get3A_7 = vector.load %arg3[%get3A_5, %get3A_6] : memref<1x128xf32, #tpu.memory_space<vmem>>, vector<1x128xf32>
    %reduce_sum3A = arith.constant dense<0.000000e+00> : vector<256xf32>
    %reduce_sum3A_8 = vector.multi_reduction <add>, %get3A_1, %reduce_sum3A [1] : vector<256x128xf32> to vector<256xf32>
    %broadcast_in_dim3A = vector.shape_cast %reduce_sum3A_8 : vector<256xf32> to vector<256x1xf32>
    %div3A = arith.constant 1.280000e+02 : f32
    %div3A_9 = vector.broadcast %div3A : f32 to vector<256x1xf32>
    %div3A_10 = arith.divf %broadcast_in_dim3A, %div3A_9 : vector<256x1xf32>
    %sub3A = vector.broadcast %div3A_10 : vector<256x1xf32> to vector<256x128xf32>
    %sub3A_11 = arith.subf %get3A_1, %sub3A : vector<256x128xf32>
    %sub3A_12 = vector.broadcast %div3A_10 : vector<256x1xf32> to vector<256x128xf32>
    %sub3A_13 = arith.subf %get3A_1, %sub3A_12 : vector<256x128xf32>
    %mul3A = arith.mulf %sub3A_11, %sub3A_13 : vector<256x128xf32>
    %reduce_sum3A_14 = arith.constant dense<0.000000e+00> : vector<256xf32>
    %reduce_sum3A_15 = vector.multi_reduction <add>, %mul3A, %reduce_sum3A_14 [1] : vector<256x128xf32> to vector<256xf32>
    %broadcast_in_dim3A_16 = vector.shape_cast %reduce_sum3A_15 : vector<256xf32> to vector<256x1xf32>
    %div3A_17 = arith.constant 1.280000e+02 : f32
    %div3A_18 = vector.broadcast %div3A_17 : f32 to vector<256x1xf32>
    %div3A_19 = arith.divf %broadcast_in_dim3A_16, %div3A_18 : vector<256x1xf32>
    %sub3A_20 = vector.broadcast %div3A_10 : vector<256x1xf32> to vector<256x128xf32>
    %sub3A_21 = arith.subf %get3A_1, %sub3A_20 : vector<256x128xf32>
    %add3A = arith.constant 9.99999974E-6 : f32
    %add3A_22 = vector.broadcast %add3A : f32 to vector<256x1xf32>
    %add3A_23 = arith.addf %div3A_19, %add3A_22 : vector<256x1xf32>
    %rsqrt3A = math.rsqrt %add3A_23 : vector<256x1xf32>
    %mul3A_24 = vector.broadcast %rsqrt3A : vector<256x1xf32> to vector<256x128xf32>
    %mul3A_25 = arith.mulf %sub3A_21, %mul3A_24 : vector<256x128xf32>
    %mul3A_26 = vector.broadcast %get3A_4 : vector<1x128xf32> to vector<256x128xf32>
    %mul3A_27 = arith.mulf %mul3A_25, %mul3A_26 : vector<256x128xf32>
    %add3A_28 = vector.broadcast %get3A_7 : vector<1x128xf32> to vector<256x128xf32>
    %add3A_29 = arith.addf %mul3A_27, %add3A_28 : vector<256x128xf32>
    %get3A_30 = arith.constant 0 : index
    %get3A_31 = arith.constant 0 : index
    %get3A_32 = vector.load %arg4[%get3A_30, %get3A_31] : memref<128x128xf32, #tpu.memory_space<vmem>>, vector<128x128xf32>
    %dot_general3A = arith.constant dense<0.000000e+00> : vector<256x128xf32>
    %dot_general3A_33 = tpu.matmul %add3A_29, %get3A_32, %dot_general3A {dimension_numbers = #tpu.dot_dimension_numbers<[1], [1], [0], [0], [0, 0, 1, 0], [], []>, transpose_lhs_hint = false} : vector<256x128xf32>, vector<128x128xf32>, vector<256x128xf32> -> vector<256x128xf32>
    %get3A_34 = arith.constant 0 : index
    %get3A_35 = arith.constant 0 : index
    %get3A_36 = vector.load %arg5[%get3A_34, %get3A_35] : memref<1x128xf32, #tpu.memory_space<vmem>>, vector<1x128xf32>
    %add3A_37 = vector.broadcast %get3A_36 : vector<1x128xf32> to vector<256x128xf32>
    %add3A_38 = arith.addf %dot_general3A_33, %add3A_37 : vector<256x128xf32>
    %mul3A_39 = arith.constant 256 : i32
    %mul3A_40 = arith.muli %arg0, %mul3A_39 : i32
    %iota3A = tpu.iota {dimensions = array<i32: 0>} : vector<256x1xi32>
    %add3A_41 = vector.broadcast %mul3A_40 : i32 to vector<256x1xi32>
    %add3A_42 = arith.addi %add3A_41, %iota3A : vector<256x1xi32>
    %lt3A = arith.constant 10000 : i32
    %lt3A_43 = vector.broadcast %lt3A : i32 to vector<256x1xi32>
    %lt3A_44 = arith.cmpi slt, %add3A_42, %lt3A_43 : vector<256x1xi32>
    %jit3A = arith.constant 0.000000e+00 : f32
    %broadcast_in_dim3A_45 = vector.shape_cast %lt3A_44 : vector<256x1xi1> to vector<256x1xi1>
    %broadcast_in_dim3A_46 = vector.broadcast %broadcast_in_dim3A_45 : vector<256x1xi1> to vector<256x128xi1>
    %broadcast_in_dim3A_47 = vector.broadcast %jit3A : f32 to vector<256x128xf32>
    %select_n3A = arith.select %broadcast_in_dim3A_46, %add3A_38, %broadcast_in_dim3A_47 : vector<256x128xi1>, vector<256x128xf32>
    %get3A_48 = arith.constant 0 : index
    %get3A_49 = arith.constant 0 : index
    %get3A_50 = vector.load %arg6[%get3A_48, %get3A_49] : memref<1x128xf32, #tpu.memory_space<vmem>>, vector<1x128xf32>
    %get3A_51 = arith.constant 0 : index
    %get3A_52 = arith.constant 0 : index
    %get3A_53 = vector.load %arg7[%get3A_51, %get3A_52] : memref<1x128xf32, #tpu.memory_space<vmem>>, vector<1x128xf32>
    %reduce_sum3A_54 = arith.constant dense<0.000000e+00> : vector<256xf32>
    %reduce_sum3A_55 = vector.multi_reduction <add>, %select_n3A, %reduce_sum3A_54 [1] : vector<256x128xf32> to vector<256xf32>
    %broadcast_in_dim3A_56 = vector.shape_cast %reduce_sum3A_55 : vector<256xf32> to vector<256x1xf32>
    %div3A_57 = arith.constant 1.280000e+02 : f32
    %div3A_58 = vector.broadcast %div3A_57 : f32 to vector<256x1xf32>
    %div3A_59 = arith.divf %broadcast_in_dim3A_56, %div3A_58 : vector<256x1xf32>
    %sub3A_60 = vector.broadcast %div3A_59 : vector<256x1xf32> to vector<256x128xf32>
    %sub3A_61 = arith.subf %select_n3A, %sub3A_60 : vector<256x128xf32>
    %sub3A_62 = vector.broadcast %div3A_59 : vector<256x1xf32> to vector<256x128xf32>
    %sub3A_63 = arith.subf %select_n3A, %sub3A_62 : vector<256x128xf32>
    %mul3A_64 = arith.mulf %sub3A_61, %sub3A_63 : vector<256x128xf32>
    %reduce_sum3A_65 = arith.constant dense<0.000000e+00> : vector<256xf32>
    %reduce_sum3A_66 = vector.multi_reduction <add>, %mul3A_64, %reduce_sum3A_65 [1] : vector<256x128xf32> to vector<256xf32>
    %broadcast_in_dim3A_67 = vector.shape_cast %reduce_sum3A_66 : vector<256xf32> to vector<256x1xf32>
    %div3A_68 = arith.constant 1.280000e+02 : f32
    %div3A_69 = vector.broadcast %div3A_68 : f32 to vector<256x1xf32>
    %div3A_70 = arith.divf %broadcast_in_dim3A_67, %div3A_69 : vector<256x1xf32>
    %sub3A_71 = vector.broadcast %div3A_59 : vector<256x1xf32> to vector<256x128xf32>
    %sub3A_72 = arith.subf %select_n3A, %sub3A_71 : vector<256x128xf32>
    %add3A_73 = arith.constant 9.99999974E-6 : f32
    %add3A_74 = vector.broadcast %add3A_73 : f32 to vector<256x1xf32>
    %add3A_75 = arith.addf %div3A_70, %add3A_74 : vector<256x1xf32>
    %rsqrt3A_76 = math.rsqrt %add3A_75 : vector<256x1xf32>
    %mul3A_77 = vector.broadcast %rsqrt3A_76 : vector<256x1xf32> to vector<256x128xf32>
    %mul3A_78 = arith.mulf %sub3A_72, %mul3A_77 : vector<256x128xf32>
    %mul3A_79 = vector.broadcast %get3A_50 : vector<1x128xf32> to vector<256x128xf32>
    %mul3A_80 = arith.mulf %mul3A_78, %mul3A_79 : vector<256x128xf32>
    %add3A_81 = vector.broadcast %get3A_53 : vector<1x128xf32> to vector<256x128xf32>
    %add3A_82 = arith.addf %mul3A_80, %add3A_81 : vector<256x128xf32>
    %mul3A_83 = arith.constant 5.000000e-01 : f32
    %mul3A_84 = vector.broadcast %mul3A_83 : f32 to vector<256x128xf32>
    %mul3A_85 = arith.mulf %mul3A_84, %add3A_82 : vector<256x128xf32>
    %mul3A_86 = arith.constant 0.707106769 : f32
    %mul3A_87 = vector.broadcast %mul3A_86 : f32 to vector<256x128xf32>
    %mul3A_88 = arith.mulf %add3A_82, %mul3A_87 : vector<256x128xf32>
    %erf3A = math.erf %mul3A_88 : vector<256x128xf32>
    %add3A_89 = arith.constant 1.000000e+00 : f32
    %add3A_90 = vector.broadcast %add3A_89 : f32 to vector<256x128xf32>
    %add3A_91 = arith.addf %add3A_90, %erf3A : vector<256x128xf32>
    %mul3A_92 = arith.mulf %mul3A_85, %add3A_91 : vector<256x128xf32>
    %get3A_93 = arith.constant 0 : index
    %get3A_94 = arith.constant 0 : index
    %get3A_95 = vector.load %arg10[%get3A_93, %get3A_94] : memref<128x128xf32, #tpu.memory_space<vmem>>, vector<128x128xf32>
    %dot_general3A_96 = arith.constant dense<0.000000e+00> : vector<256x128xf32>
    %dot_general3A_97 = tpu.matmul %mul3A_92, %get3A_95, %dot_general3A_96 {dimension_numbers = #tpu.dot_dimension_numbers<[1], [1], [0], [0], [0, 0, 1, 0], [], []>, transpose_lhs_hint = false} : vector<256x128xf32>, vector<128x128xf32>, vector<256x128xf32> -> vector<256x128xf32>
    %get3A_98 = arith.constant 0 : index
    %get3A_99 = arith.constant 0 : index
    %get3A_100 = vector.load %arg11[%get3A_98, %get3A_99] : memref<1x128xf32, #tpu.memory_space<vmem>>, vector<1x128xf32>
    %add3A_101 = vector.broadcast %get3A_100 : vector<1x128xf32> to vector<256x128xf32>
    %add3A_102 = arith.addf %dot_general3A_97, %add3A_101 : vector<256x128xf32>
    %get3A_103 = arith.constant 0 : index
    %get3A_104 = arith.constant 0 : index
    %get3A_105 = vector.load %arg12[%get3A_103, %get3A_104] : memref<1x128xf32, #tpu.memory_space<vmem>>, vector<1x128xf32>
    %get3A_106 = arith.constant 0 : index
    %get3A_107 = arith.constant 0 : index
    %get3A_108 = vector.load %arg13[%get3A_106, %get3A_107] : memref<1x128xf32, #tpu.memory_space<vmem>>, vector<1x128xf32>
    %reduce_sum3A_109 = arith.constant dense<0.000000e+00> : vector<256xf32>
    %reduce_sum3A_110 = vector.multi_reduction <add>, %add3A_102, %reduce_sum3A_109 [1] : vector<256x128xf32> to vector<256xf32>
    %broadcast_in_dim3A_111 = vector.shape_cast %reduce_sum3A_110 : vector<256xf32> to vector<256x1xf32>
    %div3A_112 = arith.constant 1.280000e+02 : f32
    %div3A_113 = vector.broadcast %div3A_112 : f32 to vector<256x1xf32>
    %div3A_114 = arith.divf %broadcast_in_dim3A_111, %div3A_113 : vector<256x1xf32>
    %sub3A_115 = vector.broadcast %div3A_114 : vector<256x1xf32> to vector<256x128xf32>
    %sub3A_116 = arith.subf %add3A_102, %sub3A_115 : vector<256x128xf32>
    %sub3A_117 = vector.broadcast %div3A_114 : vector<256x1xf32> to vector<256x128xf32>
    %sub3A_118 = arith.subf %add3A_102, %sub3A_117 : vector<256x128xf32>
    %mul3A_119 = arith.mulf %sub3A_116, %sub3A_118 : vector<256x128xf32>
    %reduce_sum3A_120 = arith.constant dense<0.000000e+00> : vector<256xf32>
    %reduce_sum3A_121 = vector.multi_reduction <add>, %mul3A_119, %reduce_sum3A_120 [1] : vector<256x128xf32> to vector<256xf32>
    %broadcast_in_dim3A_122 = vector.shape_cast %reduce_sum3A_121 : vector<256xf32> to vector<256x1xf32>
    %div3A_123 = arith.constant 1.280000e+02 : f32
    %div3A_124 = vector.broadcast %div3A_123 : f32 to vector<256x1xf32>
    %div3A_125 = arith.divf %broadcast_in_dim3A_122, %div3A_124 : vector<256x1xf32>
    %sub3A_126 = vector.broadcast %div3A_114 : vector<256x1xf32> to vector<256x128xf32>
    %sub3A_127 = arith.subf %add3A_102, %sub3A_126 : vector<256x128xf32>
    %add3A_128 = arith.constant 9.99999974E-6 : f32
    %add3A_129 = vector.broadcast %add3A_128 : f32 to vector<256x1xf32>
    %add3A_130 = arith.addf %div3A_125, %add3A_129 : vector<256x1xf32>
    %rsqrt3A_131 = math.rsqrt %add3A_130 : vector<256x1xf32>
    %mul3A_132 = vector.broadcast %rsqrt3A_131 : vector<256x1xf32> to vector<256x128xf32>
    %mul3A_133 = arith.mulf %sub3A_127, %mul3A_132 : vector<256x128xf32>
    %mul3A_134 = vector.broadcast %get3A_105 : vector<1x128xf32> to vector<256x128xf32>
    %mul3A_135 = arith.mulf %mul3A_133, %mul3A_134 : vector<256x128xf32>
    %add3A_136 = vector.broadcast %get3A_108 : vector<1x128xf32> to vector<256x128xf32>
    %add3A_137 = arith.addf %mul3A_135, %add3A_136 : vector<256x128xf32>
    %mul3A_138 = arith.constant 5.000000e-01 : f32
    %mul3A_139 = vector.broadcast %mul3A_138 : f32 to vector<256x128xf32>
    %mul3A_140 = arith.mulf %mul3A_139, %add3A_137 : vector<256x128xf32>
    %mul3A_141 = arith.constant 0.707106769 : f32
    %mul3A_142 = vector.broadcast %mul3A_141 : f32 to vector<256x128xf32>
    %mul3A_143 = arith.mulf %add3A_137, %mul3A_142 : vector<256x128xf32>
    %erf3A_144 = math.erf %mul3A_143 : vector<256x128xf32>
    %add3A_145 = arith.constant 1.000000e+00 : f32
    %add3A_146 = vector.broadcast %add3A_145 : f32 to vector<256x128xf32>
    %add3A_147 = arith.addf %add3A_146, %erf3A_144 : vector<256x128xf32>
    %mul3A_148 = arith.mulf %mul3A_140, %add3A_147 : vector<256x128xf32>
    %get3A_149 = arith.constant 0 : index
    %get3A_150 = arith.constant 0 : index
    %get3A_151 = vector.load %arg14[%get3A_149, %get3A_150] : memref<64x128xf32, #tpu.memory_space<vmem>>, vector<64x128xf32>
    %dot_general3A_152 = arith.constant dense<0.000000e+00> : vector<256x64xf32>
    %dot_general3A_153 = tpu.matmul %mul3A_148, %get3A_151, %dot_general3A_152 {dimension_numbers = #tpu.dot_dimension_numbers<[1], [1], [0], [0], [0, 0, 1, 0], [], []>, transpose_lhs_hint = false} : vector<256x128xf32>, vector<64x128xf32>, vector<256x64xf32> -> vector<256x64xf32>
    %get3A_154 = arith.constant 0 : index
    %get3A_155 = arith.constant 0 : index
    %get3A_156 = vector.load %arg15[%get3A_154, %get3A_155] : memref<1x64xf32, #tpu.memory_space<vmem>>, vector<1x64xf32>
    %add3A_157 = vector.broadcast %get3A_156 : vector<1x64xf32> to vector<256x64xf32>
    %add3A_158 = arith.addf %dot_general3A_153, %add3A_157 : vector<256x64xf32>
    %get3A_159 = arith.constant 0 : index
    %get3A_160 = arith.constant 0 : index
    %get3A_161 = vector.load %arg8[%get3A_159, %get3A_160] : memref<1x128xf32, #tpu.memory_space<vmem>>, vector<1x128xf32>
    %get3A_162 = arith.constant 0 : index
    %get3A_163 = arith.constant 0 : index
    %get3A_164 = vector.load %arg9[%get3A_162, %get3A_163] : memref<1x128xf32, #tpu.memory_space<vmem>>, vector<1x128xf32>
    %reduce_sum3A_165 = arith.constant dense<0.000000e+00> : vector<256xf32>
    %reduce_sum3A_166 = vector.multi_reduction <add>, %select_n3A, %reduce_sum3A_165 [1] : vector<256x128xf32> to vector<256xf32>
    %broadcast_in_dim3A_167 = vector.shape_cast %reduce_sum3A_166 : vector<256xf32> to vector<256x1xf32>
    %div3A_168 = arith.constant 1.280000e+02 : f32
    %div3A_169 = vector.broadcast %div3A_168 : f32 to vector<256x1xf32>
    %div3A_170 = arith.divf %broadcast_in_dim3A_167, %div3A_169 : vector<256x1xf32>
    %sub3A_171 = vector.broadcast %div3A_170 : vector<256x1xf32> to vector<256x128xf32>
    %sub3A_172 = arith.subf %select_n3A, %sub3A_171 : vector<256x128xf32>
    %sub3A_173 = vector.broadcast %div3A_170 : vector<256x1xf32> to vector<256x128xf32>
    %sub3A_174 = arith.subf %select_n3A, %sub3A_173 : vector<256x128xf32>
    %mul3A_175 = arith.mulf %sub3A_172, %sub3A_174 : vector<256x128xf32>
    %reduce_sum3A_176 = arith.constant dense<0.000000e+00> : vector<256xf32>
    %reduce_sum3A_177 = vector.multi_reduction <add>, %mul3A_175, %reduce_sum3A_176 [1] : vector<256x128xf32> to vector<256xf32>
    %broadcast_in_dim3A_178 = vector.shape_cast %reduce_sum3A_177 : vector<256xf32> to vector<256x1xf32>
    %div3A_179 = arith.constant 1.280000e+02 : f32
    %div3A_180 = vector.broadcast %div3A_179 : f32 to vector<256x1xf32>
    %div3A_181 = arith.divf %broadcast_in_dim3A_178, %div3A_180 : vector<256x1xf32>
    %sub3A_182 = vector.broadcast %div3A_170 : vector<256x1xf32> to vector<256x128xf32>
    %sub3A_183 = arith.subf %select_n3A, %sub3A_182 : vector<256x128xf32>
    %add3A_184 = arith.constant 9.99999974E-6 : f32
    %add3A_185 = vector.broadcast %add3A_184 : f32 to vector<256x1xf32>
    %add3A_186 = arith.addf %div3A_181, %add3A_185 : vector<256x1xf32>
    %rsqrt3A_187 = math.rsqrt %add3A_186 : vector<256x1xf32>
    %mul3A_188 = vector.broadcast %rsqrt3A_187 : vector<256x1xf32> to vector<256x128xf32>
    %mul3A_189 = arith.mulf %sub3A_183, %mul3A_188 : vector<256x128xf32>
    %mul3A_190 = vector.broadcast %get3A_161 : vector<1x128xf32> to vector<256x128xf32>
    %mul3A_191 = arith.mulf %mul3A_189, %mul3A_190 : vector<256x128xf32>
    %add3A_192 = vector.broadcast %get3A_164 : vector<1x128xf32> to vector<256x128xf32>
    %add3A_193 = arith.addf %mul3A_191, %add3A_192 : vector<256x128xf32>
    %mul3A_194 = arith.constant 5.000000e-01 : f32
    %mul3A_195 = vector.broadcast %mul3A_194 : f32 to vector<256x128xf32>
    %mul3A_196 = arith.mulf %mul3A_195, %add3A_193 : vector<256x128xf32>
    %mul3A_197 = arith.constant 0.707106769 : f32
    %mul3A_198 = vector.broadcast %mul3A_197 : f32 to vector<256x128xf32>
    %mul3A_199 = arith.mulf %add3A_193, %mul3A_198 : vector<256x128xf32>
    %erf3A_200 = math.erf %mul3A_199 : vector<256x128xf32>
    %add3A_201 = arith.constant 1.000000e+00 : f32
    %add3A_202 = vector.broadcast %add3A_201 : f32 to vector<256x128xf32>
    %add3A_203 = arith.addf %add3A_202, %erf3A_200 : vector<256x128xf32>
    %mul3A_204 = arith.mulf %mul3A_196, %add3A_203 : vector<256x128xf32>
    %swap3A = arith.constant 0 : index
    %swap3A_205 = arith.constant 0 : index
    %swap3A_206 = vector.load %arg16[%swap3A, %swap3A_205] : memref<256x128xf32, #tpu.memory_space<vmem>>, vector<256x128xf32>
    tpu.vector_store %arg16[%swap3A, %swap3A_205], %select_n3A {strides = array<i32>} : memref<256x128xf32, #tpu.memory_space<vmem>>, vector<256x128xf32>,
    %broadcast_in_dim3A_207 = arith.constant 0.000000e+00 : f32
    %broadcast_in_dim3A_208 = vector.broadcast %broadcast_in_dim3A_207 : f32 to vector<256x64xf32>
    %concatenate3A = tpu.concatenate %add3A_158, %broadcast_in_dim3A_208, %mul3A_204 in 1 : vector<256x64xf32>, vector<256x64xf32>, vector<256x128xf32> -> vector<256x256xf32>
    %swap3A_209 = arith.constant 0 : index
    %swap3A_210 = arith.constant 0 : index
    %swap3A_211 = vector.load %arg17[%swap3A_209, %swap3A_210] : memref<256x256xf32, #tpu.memory_space<vmem>>, vector<256x256xf32>
    tpu.vector_store %arg17[%swap3A_209, %swap3A_210], %concatenate3A {strides = array<i32>} : memref<256x256xf32, #tpu.memory_space<vmem>>, vector<256x256xf32>,
    return
  }
  func.func @transform_0(%arg0: i32) -> (i32, i32) {
    %c0_i32 = arith.constant 0 : i32
    %c0_i32_0 = arith.constant 0 : i32
    return %arg0, %c0_i32 : i32, i32
  }
  func.func @transform_1(%arg0: i32) -> (i32, i32) {
    %c0_i32 = arith.constant 0 : i32
    %c0_i32_0 = arith.constant 0 : i32
    %c0_i32_1 = arith.constant 0 : i32
    return %c0_i32, %c0_i32_0 : i32, i32
  }
  func.func @transform_2(%arg0: i32) -> (i32, i32) {
    %c0_i32 = arith.constant 0 : i32
    %c0_i32_0 = arith.constant 0 : i32
    %c0_i32_1 = arith.constant 0 : i32
    return %c0_i32, %c0_i32_0 : i32, i32
  }
  func.func @transform_3(%arg0: i32) -> (i32, i32) {
    %c0_i32 = arith.constant 0 : i32
    %c0_i32_0 = arith.constant 0 : i32
    %c0_i32_1 = arith.constant 0 : i32
    return %c0_i32, %c0_i32_0 : i32, i32
  }
  func.func @transform_4(%arg0: i32) -> (i32, i32) {
    %c0_i32 = arith.constant 0 : i32
    %c0_i32_0 = arith.constant 0 : i32
    %c0_i32_1 = arith.constant 0 : i32
    return %c0_i32, %c0_i32_0 : i32, i32
  }
  func.func @transform_5(%arg0: i32) -> (i32, i32) {
    %c0_i32 = arith.constant 0 : i32
    %c0_i32_0 = arith.constant 0 : i32
    %c0_i32_1 = arith.constant 0 : i32
    return %c0_i32, %c0_i32_0 : i32, i32
  }
  func.func @transform_6(%arg0: i32) -> (i32, i32) {
    %c0_i32 = arith.constant 0 : i32
    %c0_i32_0 = arith.constant 0 : i32
    %c0_i32_1 = arith.constant 0 : i32
    return %c0_i32, %c0_i32_0 : i32, i32
  }
  func.func @transform_7(%arg0: i32) -> (i32, i32) {
    %c0_i32 = arith.constant 0 : i32
    %c0_i32_0 = arith.constant 0 : i32
    %c0_i32_1 = arith.constant 0 : i32
    return %c0_i32, %c0_i32_0 : i32, i32
  }
  func.func @transform_8(%arg0: i32) -> (i32, i32) {
    %c0_i32 = arith.constant 0 : i32
    %c0_i32_0 = arith.constant 0 : i32
    %c0_i32_1 = arith.constant 0 : i32
    return %c0_i32, %c0_i32_0 : i32, i32
  }
  func.func @transform_9(%arg0: i32) -> (i32, i32) {
    %c0_i32 = arith.constant 0 : i32
    %c0_i32_0 = arith.constant 0 : i32
    %c0_i32_1 = arith.constant 0 : i32
    return %c0_i32, %c0_i32_0 : i32, i32
  }
  func.func @transform_10(%arg0: i32) -> (i32, i32) {
    %c0_i32 = arith.constant 0 : i32
    %c0_i32_0 = arith.constant 0 : i32
    %c0_i32_1 = arith.constant 0 : i32
    return %c0_i32, %c0_i32_0 : i32, i32
  }
  func.func @transform_11(%arg0: i32) -> (i32, i32) {
    %c0_i32 = arith.constant 0 : i32
    %c0_i32_0 = arith.constant 0 : i32
    %c0_i32_1 = arith.constant 0 : i32
    return %c0_i32, %c0_i32_0 : i32, i32
  }
  func.func @transform_12(%arg0: i32) -> (i32, i32) {
    %c0_i32 = arith.constant 0 : i32
    %c0_i32_0 = arith.constant 0 : i32
    %c0_i32_1 = arith.constant 0 : i32
    return %c0_i32, %c0_i32_0 : i32, i32
  }
  func.func @transform_13(%arg0: i32) -> (i32, i32) {
    %c0_i32 = arith.constant 0 : i32
    %c0_i32_0 = arith.constant 0 : i32
    %c0_i32_1 = arith.constant 0 : i32
    return %c0_i32, %c0_i32_0 : i32, i32
  }
  func.func @transform_14(%arg0: i32) -> (i32, i32) {
    %c0_i32 = arith.constant 0 : i32
    %c0_i32_0 = arith.constant 0 : i32
    %c0_i32_1 = arith.constant 0 : i32
    return %c0_i32, %c0_i32_0 : i32, i32
  }
  func.func @transform_15(%arg0: i32) -> (i32, i32) {
    %c0_i32 = arith.constant 0 : i32
    %c0_i32_0 = arith.constant 0 : i32
    return %arg0, %c0_i32 : i32, i32
  }
  func.func @transform_16(%arg0: i32) -> (i32, i32) {
    %c0_i32 = arith.constant 0 : i32
    %c0_i32_0 = arith.constant 0 : i32
    return %arg0, %c0_i32 : i32, i32
  }
}

module attributes {stable_mosaic.version = 14 : i64} {
  func.func @_stage_c_body(%arg0: i32, %arg1: memref<626xi32, #tpu.memory_space<smem>>, %arg2: memref<160x256xf32, #tpu.memory_space<vmem>>, %arg3: memref<160x256xf32, #tpu.memory_space<vmem>>, %arg4: memref<160x256xf32, #tpu.memory_space<vmem>>, %arg5: memref<160x1xi32, #tpu.memory_space<vmem>>, %arg6: memref<160x1xi32, #tpu.memory_space<vmem>>, %arg7: memref<160x1xi32, #tpu.memory_space<vmem>>, %arg8: memref<163840x256xf32, #tpu.memory_space<any>>, %arg9: memref<163840x1xi32, #tpu.memory_space<any>>, %arg10: memref<16x128xf32, #tpu.memory_space<vmem>>, %arg11: memref<1x16x1xf32, #tpu.memory_space<vmem>>, %arg12: memref<16x256xf32, #tpu.memory_space<vmem>>, %arg13: memref<1x1xf32, #tpu.memory_space<smem>>, %arg14: memref<1x256xf32, #tpu.memory_space<vmem>>, %arg15: memref<1x256xf32, #tpu.memory_space<vmem>>, %arg16: memref<128x256xf32, #tpu.memory_space<vmem>>, %arg17: memref<1x128xf32, #tpu.memory_space<vmem>>, %arg18: memref<16x128xf32, #tpu.memory_space<vmem>>, %arg19: memref<160x256xf32, #tpu.memory_space<vmem>>, %arg20: memref<160x1xi32, #tpu.memory_space<vmem>>, %arg21: memref<1024x128xf32, #tpu.memory_space<vmem>>, %arg22: memref<16x64xf32, #tpu.memory_space<vmem>>, %arg23: memref<!tpu.dma_semaphore, #tpu.memory_space<semaphore_mem>>, %arg24: memref<!tpu.dma_semaphore, #tpu.memory_space<semaphore_mem>>) attributes {dimension_semantics = [#tpu.dimension_semantics<arbitrary>], iteration_bounds = array<i64: 625>, scalar_prefetch = 1 : i64, scratch_operands = 6 : i64, tpu.core_type = #tpu.core_type<tc>, window_params = [{transform_indices = @transform_0, window_bounds = array<i64: 160, 256>}, {transform_indices = @transform_1, window_bounds = array<i64: 160, 256>}, {transform_indices = @transform_2, window_bounds = array<i64: 160, 256>}, {transform_indices = @transform_3, window_bounds = array<i64: 160, 1>}, {transform_indices = @transform_4, window_bounds = array<i64: 160, 1>}, {transform_indices = @transform_5, window_bounds = array<i64: 160, 1>}, {}, {}, {transform_indices = @transform_8, window_bounds = array<i64: 16, 128>}, {transform_indices = @transform_9, window_bounds = array<i64: 1, 16, 1>}, {pipeline_mode = #tpu.pipeline_mode<synchronous>, transform_indices = @transform_10, window_bounds = array<i64: 16, 256>}, {transform_indices = @transform_11, window_bounds = array<i64: 1, 1>}, {pipeline_mode = #tpu.pipeline_mode<synchronous>, transform_indices = @transform_12, window_bounds = array<i64: 1, 256>}, {pipeline_mode = #tpu.pipeline_mode<synchronous>, transform_indices = @transform_13, window_bounds = array<i64: 1, 256>}, {pipeline_mode = #tpu.pipeline_mode<synchronous>, transform_indices = @transform_14, window_bounds = array<i64: 128, 256>}, {pipeline_mode = #tpu.pipeline_mode<synchronous>, transform_indices = @transform_15, window_bounds = array<i64: 1, 128>}, {transform_indices = @transform_16, window_bounds = array<i64: 16, 128>}]} {
    %mul3A = arith.constant 16 : i32
    %mul3A_0 = arith.muli %arg0, %mul3A : i32
    %get3A = arith.index_cast %arg0 : i32 to index
    %get3A_1 = memref.load %arg1[%get3A] : memref<626xi32, #tpu.memory_space<smem>>
    %add3A = arith.constant 1 : i32
    %add3A_2 = arith.addi %arg0, %add3A : i32
    %get3A_3 = arith.index_cast %add3A_2 : i32 to index
    %get3A_4 = memref.load %arg1[%get3A_3] : memref<626xi32, #tpu.memory_space<smem>>
    %get3A_5 = arith.constant 0 : index
    %get3A_6 = arith.constant 0 : index
    %get3A_7 = vector.load %arg2[%get3A_5, %get3A_6] : memref<160x256xf32, #tpu.memory_space<vmem>>, vector<160x256xf32>
    %get3A_8 = arith.constant 0 : index
    %get3A_9 = arith.constant 0 : index
    %get3A_10 = vector.load %arg3[%get3A_8, %get3A_9] : memref<160x256xf32, #tpu.memory_space<vmem>>, vector<160x256xf32>
    %get3A_11 = arith.constant 0 : index
    %get3A_12 = arith.constant 0 : index
    %get3A_13 = vector.load %arg4[%get3A_11, %get3A_12] : memref<160x256xf32, #tpu.memory_space<vmem>>, vector<160x256xf32>
    %concatenate3A = tpu.concatenate %get3A_7, %get3A_10, %get3A_13 in 0 : vector<160x256xf32>, vector<160x256xf32>, vector<160x256xf32> -> vector<480x256xf32>
    %get3A_14 = arith.constant 0 : index
    %get3A_15 = arith.constant 0 : index
    %get3A_16 = vector.load %arg5[%get3A_14, %get3A_15] : memref<160x1xi32, #tpu.memory_space<vmem>>, vector<160x1xi32>
    %get3A_17 = arith.constant 0 : index
    %get3A_18 = arith.constant 0 : index
    %get3A_19 = vector.load %arg6[%get3A_17, %get3A_18] : memref<160x1xi32, #tpu.memory_space<vmem>>, vector<160x1xi32>
    %get3A_20 = arith.constant 0 : index
    %get3A_21 = arith.constant 0 : index
    %get3A_22 = vector.load %arg7[%get3A_20, %get3A_21] : memref<160x1xi32, #tpu.memory_space<vmem>>, vector<160x1xi32>
    %concatenate3A_23 = tpu.concatenate %get3A_16, %get3A_19, %get3A_22 in 0 : vector<160x1xi32>, vector<160x1xi32>, vector<160x1xi32> -> vector<480x1xi32>
    %sub3A = vector.broadcast %mul3A_0 : i32 to vector<480x1xi32>
    %sub3A_24 = arith.subi %concatenate3A_23, %sub3A : vector<480x1xi32>
    %slice3A = vector.extract_strided_slice %concatenate3A {offsets = [0, 0], sizes = [480, 64], strides = [1, 1]} : vector<480x256xf32> to vector<480x64xf32>
    %slice3A_25 = vector.extract_strided_slice %concatenate3A {offsets = [0, 128], sizes = [480, 128], strides = [1, 1]} : vector<480x256xf32> to vector<480x128xf32>
    %convert_element_type3A = arith.truncf %slice3A : vector<480x64xf32> to vector<480x64xbf16>
    %iota3A = tpu.iota {dimensions = array<i32: 1>} : vector<480x1024xi32>
    %jit3A = arith.constant 64 : i32
    %div3A = vector.broadcast %jit3A : i32 to vector<480x1024xi32>
    %div3A_26 = arith.divsi %iota3A, %div3A : vector<480x1024xi32>
    %sign3A = arith.constant 0 : i32
    %sign3A_27 = vector.broadcast %sign3A : i32 to vector<480x1024xi32>
    %sign3A_28 = arith.cmpi sgt, %iota3A, %sign3A_27 : vector<480x1024xi32>
    %sign3A_29 = arith.extui %sign3A_28 : vector<480x1024xi1> to vector<480x1024xi32>
    %sign3A_30 = arith.constant 0 : i32
    %sign3A_31 = vector.broadcast %sign3A_30 : i32 to vector<480x1024xi32>
    %sign3A_32 = arith.cmpi slt, %iota3A, %sign3A_31 : vector<480x1024xi32>
    %sign3A_33 = arith.extui %sign3A_32 : vector<480x1024xi1> to vector<480x1024xi32>
    %sign3A_34 = arith.subi %sign3A_29, %sign3A_33 : vector<480x1024xi32>
    %sign3A_35 = arith.constant 0 : i32
    %sign3A_36 = arith.cmpi sgt, %jit3A, %sign3A_35 : i32
    %sign3A_37 = arith.extui %sign3A_36 : i1 to i32
    %sign3A_38 = arith.constant 0 : i32
    %sign3A_39 = arith.cmpi slt, %jit3A, %sign3A_38 : i32
    %sign3A_40 = arith.extui %sign3A_39 : i1 to i32
    %sign3A_41 = arith.subi %sign3A_37, %sign3A_40 : i32
    %ne3A = vector.broadcast %sign3A_41 : i32 to vector<480x1024xi32>
    %ne3A_42 = arith.cmpi ne, %sign3A_34, %ne3A : vector<480x1024xi32>
    %rem3A = vector.broadcast %jit3A : i32 to vector<480x1024xi32>
    %rem3A_43 = arith.remsi %iota3A, %rem3A : vector<480x1024xi32>
    %ne3A_44 = arith.constant 0 : i32
    %ne3A_45 = vector.broadcast %ne3A_44 : i32 to vector<480x1024xi32>
    %ne3A_46 = arith.cmpi ne, %rem3A_43, %ne3A_45 : vector<480x1024xi32>
    %and3A = arith.andi %ne3A_42, %ne3A_46 : vector<480x1024xi1>
    %sub3A_47 = arith.constant 1 : i32
    %sub3A_48 = vector.broadcast %sub3A_47 : i32 to vector<480x1024xi32>
    %sub3A_49 = arith.subi %div3A_26, %sub3A_48 : vector<480x1024xi32>
    %select_n3A = arith.select %and3A, %sub3A_49, %div3A_26 : vector<480x1024xi1>, vector<480x1024xi32>
    %eq3A = vector.broadcast %sub3A_24 : vector<480x1xi32> to vector<480x1024xi32>
    %eq3A_50 = arith.cmpi eq, %select_n3A, %eq3A : vector<480x1024xi32>
    %concatenate3A_51 = tpu.concatenate %convert_element_type3A, %convert_element_type3A, %convert_element_type3A, %convert_element_type3A, %convert_element_type3A, %convert_element_type3A, %convert_element_type3A, %convert_element_type3A, %convert_element_type3A, %convert_element_type3A, %convert_element_type3A, %convert_element_type3A, %convert_element_type3A, %convert_element_type3A, %convert_element_type3A, %convert_element_type3A in 1 : vector<480x64xbf16>, vector<480x64xbf16>, vector<480x64xbf16>, vector<480x64xbf16>, vector<480x64xbf16>, vector<480x64xbf16>, vector<480x64xbf16>, vector<480x64xbf16>, vector<480x64xbf16>, vector<480x64xbf16>, vector<480x64xbf16>, vector<480x64xbf16>, vector<480x64xbf16>, vector<480x64xbf16>, vector<480x64xbf16>, vector<480x64xbf16> -> vector<480x1024xbf16>
    %jit3A_52 = arith.constant 0.000000e+00 : bf16
    %broadcast_in_dim3A = vector.broadcast %jit3A_52 : bf16 to vector<480x1024xbf16>
    %select_n3A_53 = arith.select %eq3A_50, %concatenate3A_51, %broadcast_in_dim3A : vector<480x1024xi1>, vector<480x1024xbf16>
    %convert_element_type3A_54 = arith.truncf %slice3A_25 : vector<480x128xf32> to vector<480x128xbf16>
    %dot_general3A = arith.constant dense<0.000000e+00> : vector<1024x128xf32>
    %dot_general3A_55 = tpu.matmul %select_n3A_53, %convert_element_type3A_54, %dot_general3A {dimension_numbers = #tpu.dot_dimension_numbers<[0], [0], [1], [1], [0, 1, 1, 1], [], []>, transpose_lhs_hint = false} : vector<480x1024xbf16>, vector<480x128xbf16>, vector<1024x128xf32> -> vector<1024x128xf32>
    %iota3A_56 = tpu.iota {dimensions = array<i32: 1>} : vector<480x16xi32>
    %eq3A_57 = vector.broadcast %sub3A_24 : vector<480x1xi32> to vector<480x16xi32>
    %eq3A_58 = arith.cmpi eq, %eq3A_57, %iota3A_56 : vector<480x16xi32>
    %convert_element_type3A_59 = arith.extui %eq3A_58 : vector<480x16xi1> to vector<480x16xi32>
    %convert_element_type3A_60 = arith.sitofp %convert_element_type3A_59 : vector<480x16xi32> to vector<480x16xf32>
    %convert_element_type3A_61 = arith.truncf %convert_element_type3A_60 : vector<480x16xf32> to vector<480x16xbf16>
    %dot_general3A_62 = arith.constant dense<0.000000e+00> : vector<16x64xf32>
    %dot_general3A_63 = tpu.matmul %convert_element_type3A_61, %convert_element_type3A, %dot_general3A_62 {dimension_numbers = #tpu.dot_dimension_numbers<[0], [0], [1], [1], [0, 1, 1, 1], [], []>, transpose_lhs_hint = false} : vector<480x16xbf16>, vector<480x64xbf16>, vector<16x64xf32> -> vector<16x64xf32>
    %get3A_64 = arith.constant 0 : index
    %get3A_65 = arith.constant 0 : index
    %get3A_66 = arith.constant 0 : index
    %get3A_67 = vector.load %arg11[%get3A_64, %get3A_65, %get3A_66] : memref<1x16x1xf32, #tpu.memory_space<vmem>>, vector<1x16x1xf32>
    %get3A_68 = vector.shape_cast %get3A_67 : vector<1x16x1xf32> to vector<16x1xf32>
    %iota3A_69 = tpu.iota {dimensions = array<i32: 0>} : vector<16x1xi32>
    %get3A_70 = arith.constant 0 : index
    %get3A_71 = arith.constant 0 : index
    %get3A_72 = vector.load %arg12[%get3A_70, %get3A_71] : memref<16x256xf32, #tpu.memory_space<vmem>>, vector<16x64xf32>
    %mul3A_73 = vector.broadcast %get3A_68 : vector<16x1xf32> to vector<16x64xf32>
    %mul3A_74 = arith.mulf %get3A_72, %mul3A_73 : vector<16x64xf32>
    %get3A_75 = arith.constant 0 : index
    %get3A_76 = arith.constant 128 : index
    %get3A_77 = vector.load %arg12[%get3A_75, %get3A_76] : memref<16x256xf32, #tpu.memory_space<vmem>>, vector<16x128xf32>
    %convert_element_type3A_78 = arith.truncf %mul3A_74 : vector<16x64xf32> to vector<16x64xbf16>
    %iota3A_79 = tpu.iota {dimensions = array<i32: 1>} : vector<16x1024xi32>
    %jit3A_80 = arith.constant 64 : i32
    %div3A_81 = vector.broadcast %jit3A_80 : i32 to vector<16x1024xi32>
    %div3A_82 = arith.divsi %iota3A_79, %div3A_81 : vector<16x1024xi32>
    %sign3A_83 = arith.constant 0 : i32
    %sign3A_84 = vector.broadcast %sign3A_83 : i32 to vector<16x1024xi32>
    %sign3A_85 = arith.cmpi sgt, %iota3A_79, %sign3A_84 : vector<16x1024xi32>
    %sign3A_86 = arith.extui %sign3A_85 : vector<16x1024xi1> to vector<16x1024xi32>
    %sign3A_87 = arith.constant 0 : i32
    %sign3A_88 = vector.broadcast %sign3A_87 : i32 to vector<16x1024xi32>
    %sign3A_89 = arith.cmpi slt, %iota3A_79, %sign3A_88 : vector<16x1024xi32>
    %sign3A_90 = arith.extui %sign3A_89 : vector<16x1024xi1> to vector<16x1024xi32>
    %sign3A_91 = arith.subi %sign3A_86, %sign3A_90 : vector<16x1024xi32>
    %sign3A_92 = arith.constant 0 : i32
    %sign3A_93 = arith.cmpi sgt, %jit3A_80, %sign3A_92 : i32
    %sign3A_94 = arith.extui %sign3A_93 : i1 to i32
    %sign3A_95 = arith.constant 0 : i32
    %sign3A_96 = arith.cmpi slt, %jit3A_80, %sign3A_95 : i32
    %sign3A_97 = arith.extui %sign3A_96 : i1 to i32
    %sign3A_98 = arith.subi %sign3A_94, %sign3A_97 : i32
    %ne3A_99 = vector.broadcast %sign3A_98 : i32 to vector<16x1024xi32>
    %ne3A_100 = arith.cmpi ne, %sign3A_91, %ne3A_99 : vector<16x1024xi32>
    %rem3A_101 = vector.broadcast %jit3A_80 : i32 to vector<16x1024xi32>
    %rem3A_102 = arith.remsi %iota3A_79, %rem3A_101 : vector<16x1024xi32>
    %ne3A_103 = arith.constant 0 : i32
    %ne3A_104 = vector.broadcast %ne3A_103 : i32 to vector<16x1024xi32>
    %ne3A_105 = arith.cmpi ne, %rem3A_102, %ne3A_104 : vector<16x1024xi32>
    %and3A_106 = arith.andi %ne3A_100, %ne3A_105 : vector<16x1024xi1>
    %sub3A_107 = arith.constant 1 : i32
    %sub3A_108 = vector.broadcast %sub3A_107 : i32 to vector<16x1024xi32>
    %sub3A_109 = arith.subi %div3A_82, %sub3A_108 : vector<16x1024xi32>
    %select_n3A_110 = arith.select %and3A_106, %sub3A_109, %div3A_82 : vector<16x1024xi1>, vector<16x1024xi32>
    %eq3A_111 = vector.broadcast %iota3A_69 : vector<16x1xi32> to vector<16x1024xi32>
    %eq3A_112 = arith.cmpi eq, %select_n3A_110, %eq3A_111 : vector<16x1024xi32>
    %concatenate3A_113 = tpu.concatenate %convert_element_type3A_78, %convert_element_type3A_78, %convert_element_type3A_78, %convert_element_type3A_78, %convert_element_type3A_78, %convert_element_type3A_78, %convert_element_type3A_78, %convert_element_type3A_78, %convert_element_type3A_78, %convert_element_type3A_78, %convert_element_type3A_78, %convert_element_type3A_78, %convert_element_type3A_78, %convert_element_type3A_78, %convert_element_type3A_78, %convert_element_type3A_78 in 1 : vector<16x64xbf16>, vector<16x64xbf16>, vector<16x64xbf16>, vector<16x64xbf16>, vector<16x64xbf16>, vector<16x64xbf16>, vector<16x64xbf16>, vector<16x64xbf16>, vector<16x64xbf16>, vector<16x64xbf16>, vector<16x64xbf16>, vector<16x64xbf16>, vector<16x64xbf16>, vector<16x64xbf16>, vector<16x64xbf16>, vector<16x64xbf16> -> vector<16x1024xbf16>
    %jit3A_114 = arith.constant 0.000000e+00 : bf16
    %broadcast_in_dim3A_115 = vector.broadcast %jit3A_114 : bf16 to vector<16x1024xbf16>
    %select_n3A_116 = arith.select %eq3A_112, %concatenate3A_113, %broadcast_in_dim3A_115 : vector<16x1024xi1>, vector<16x1024xbf16>
    %convert_element_type3A_117 = arith.truncf %get3A_77 : vector<16x128xf32> to vector<16x128xbf16>
    %dot_general3A_118 = arith.constant dense<0.000000e+00> : vector<1024x128xf32>
    %dot_general3A_119 = tpu.matmul %select_n3A_116, %convert_element_type3A_117, %dot_general3A_118 {dimension_numbers = #tpu.dot_dimension_numbers<[0], [0], [1], [1], [0, 1, 1, 1], [], []>, transpose_lhs_hint = false} : vector<16x1024xbf16>, vector<16x128xbf16>, vector<1024x128xf32> -> vector<1024x128xf32>
    %add3A_120 = arith.addf %dot_general3A_55, %dot_general3A_119 : vector<1024x128xf32>
    %swap3A = arith.constant 0 : index
    %swap3A_121 = arith.constant 0 : index
    %swap3A_122 = vector.load %arg21[%swap3A, %swap3A_121] : memref<1024x128xf32, #tpu.memory_space<vmem>>, vector<1024x128xf32>
    tpu.vector_store %arg21[%swap3A, %swap3A_121], %add3A_120 {strides = array<i32>} : memref<1024x128xf32, #tpu.memory_space<vmem>>, vector<1024x128xf32>,
    %add3A_123 = arith.addf %dot_general3A_63, %mul3A_74 : vector<16x64xf32>
    %swap3A_124 = arith.constant 0 : index
    %swap3A_125 = arith.constant 0 : index
    %swap3A_126 = vector.load %arg22[%swap3A_124, %swap3A_125] : memref<16x64xf32, #tpu.memory_space<vmem>>, vector<16x64xf32>
    tpu.vector_store %arg22[%swap3A_124, %swap3A_125], %add3A_123 {strides = array<i32>} : memref<16x64xf32, #tpu.memory_space<vmem>>, vector<16x64xf32>,
    %jit3A_127 = arith.constant 160 : i32
    %div3A_128 = arith.divsi %get3A_1, %jit3A_127 : i32
    %sign3A_129 = arith.constant 0 : i32
    %sign3A_130 = arith.cmpi sgt, %get3A_1, %sign3A_129 : i32
    %sign3A_131 = arith.extui %sign3A_130 : i1 to i32
    %sign3A_132 = arith.constant 0 : i32
    %sign3A_133 = arith.cmpi slt, %get3A_1, %sign3A_132 : i32
    %sign3A_134 = arith.extui %sign3A_133 : i1 to i32
    %sign3A_135 = arith.subi %sign3A_131, %sign3A_134 : i32
    %sign3A_136 = arith.constant 0 : i32
    %sign3A_137 = arith.cmpi sgt, %jit3A_127, %sign3A_136 : i32
    %sign3A_138 = arith.extui %sign3A_137 : i1 to i32
    %sign3A_139 = arith.constant 0 : i32
    %sign3A_140 = arith.cmpi slt, %jit3A_127, %sign3A_139 : i32
    %sign3A_141 = arith.extui %sign3A_140 : i1 to i32
    %sign3A_142 = arith.subi %sign3A_138, %sign3A_141 : i32
    %ne3A_143 = arith.cmpi ne, %sign3A_135, %sign3A_142 : i32
    %rem3A_144 = arith.remsi %get3A_1, %jit3A_127 : i32
    %ne3A_145 = arith.constant 0 : i32
    %ne3A_146 = arith.cmpi ne, %rem3A_144, %ne3A_145 : i32
    %and3A_147 = arith.andi %ne3A_143, %ne3A_146 : i1
    %sub3A_148 = arith.constant 1 : i32
    %sub3A_149 = arith.subi %div3A_128, %sub3A_148 : i32
    %select_n3A_150 = arith.select %and3A_147, %sub3A_149, %div3A_128 : i32
    %add3A_151 = arith.constant 3 : i32
    %add3A_152 = arith.addi %select_n3A_150, %add3A_151 : i32
    %mul3A_153 = arith.constant 160 : i32
    %mul3A_154 = arith.muli %add3A_152, %mul3A_153 : i32
    %sub3A_155 = arith.subi %get3A_4, %mul3A_154 : i32
    %add3A_156 = arith.constant 160 : i32
    %add3A_157 = arith.addi %sub3A_155, %add3A_156 : i32
    %sub3A_158 = arith.constant 1 : i32
    %sub3A_159 = arith.subi %add3A_157, %sub3A_158 : i32
    %jit3A_160 = arith.constant 160 : i32
    %div3A_161 = arith.divsi %sub3A_159, %jit3A_160 : i32
    %sign3A_162 = arith.constant 0 : i32
    %sign3A_163 = arith.cmpi sgt, %sub3A_159, %sign3A_162 : i32
    %sign3A_164 = arith.extui %sign3A_163 : i1 to i32
    %sign3A_165 = arith.constant 0 : i32
    %sign3A_166 = arith.cmpi slt, %sub3A_159, %sign3A_165 : i32
    %sign3A_167 = arith.extui %sign3A_166 : i1 to i32
    %sign3A_168 = arith.subi %sign3A_164, %sign3A_167 : i32
    %sign3A_169 = arith.constant 0 : i32
    %sign3A_170 = arith.cmpi sgt, %jit3A_160, %sign3A_169 : i32
    %sign3A_171 = arith.extui %sign3A_170 : i1 to i32
    %sign3A_172 = arith.constant 0 : i32
    %sign3A_173 = arith.cmpi slt, %jit3A_160, %sign3A_172 : i32
    %sign3A_174 = arith.extui %sign3A_173 : i1 to i32
    %sign3A_175 = arith.subi %sign3A_171, %sign3A_174 : i32
    %ne3A_176 = arith.cmpi ne, %sign3A_168, %sign3A_175 : i32
    %rem3A_177 = arith.remsi %sub3A_159, %jit3A_160 : i32
    %ne3A_178 = arith.constant 0 : i32
    %ne3A_179 = arith.cmpi ne, %rem3A_177, %ne3A_178 : i32
    %and3A_180 = arith.andi %ne3A_176, %ne3A_179 : i1
    %sub3A_181 = arith.constant 1 : i32
    %sub3A_182 = arith.subi %div3A_161, %sub3A_181 : i32
    %select_n3A_183 = arith.select %and3A_180, %sub3A_182, %div3A_161 : i32
    %max3A = arith.constant 0 : i32
    %max3A_184 = arith.maxsi %select_n3A_183, %max3A : i32
    %while3A = arith.constant 0 : i32
    %while3A_185 = arith.constant 0 : i32
    %while3A_186 = arith.subi %max3A_184, %while3A : i32
    %while3A_187 = arith.addi %while3A, %while3A_186 : i32
    %while3A_188 = arith.constant 1 : i32
    %while3A_189 = arith.divsi %while3A_186, %while3A_188 : i32
    %while3A_190 = arith.muli %while3A_189, %while3A_188 : i32
    %while3A_191 = arith.addi %while3A, %while3A_190 : i32
    %while3A_192 = arith.constant 1 : i32
    %while3A_193 = scf.for %while3A_327 = %while3A to %while3A_191 step %while3A_192 iter_args(%while3A_328 = %while3A_185) -> (i32)  : i32 {
      %mul3A_329 = arith.constant 160 : i32
      %mul3A_330 = arith.muli %while3A_327, %mul3A_329 : i32
      %add3A_331 = arith.addi %mul3A_154, %mul3A_330 : i32
      %dma_start3A = arith.constant 0 : i32
      %dma_start3A_332 = tpu.memref_slice %arg8[%add3A_331, %dma_start3A] : memref<163840x256xf32, #tpu.memory_space<any>> -> memref<160x256xf32, #tpu.memory_space<any>>
      tpu.enqueue_dma source(%dma_start3A_332 : memref<160x256xf32, #tpu.memory_space<any>>) target(%arg19 : memref<160x256xf32, #tpu.memory_space<vmem>>) target_semaphore(%arg23 : memref<!tpu.dma_semaphore, #tpu.memory_space<semaphore_mem>>)
      %dma_start3A_333 = arith.constant 0 : i32
      %dma_start3A_334 = tpu.memref_slice %arg9[%add3A_331, %dma_start3A_333] : memref<163840x1xi32, #tpu.memory_space<any>> -> memref<160x1xi32, #tpu.memory_space<any>>
      tpu.enqueue_dma source(%dma_start3A_334 : memref<160x1xi32, #tpu.memory_space<any>>) target(%arg20 : memref<160x1xi32, #tpu.memory_space<vmem>>) target_semaphore(%arg24 : memref<!tpu.dma_semaphore, #tpu.memory_space<semaphore_mem>>)
      %dma_wait3A = arith.constant 0 : i32
      %dma_wait3A_335 = tpu.memref_slice %arg8[%add3A_331, %dma_wait3A] : memref<163840x256xf32, #tpu.memory_space<any>> -> memref<160x256xf32, #tpu.memory_space<any>>
      tpu.wait_dma2 semaphore(%arg23 : memref<!tpu.dma_semaphore, #tpu.memory_space<semaphore_mem>>) src(%dma_wait3A_335 : memref<160x256xf32, #tpu.memory_space<any>>) dst(%arg19 : memref<160x256xf32, #tpu.memory_space<vmem>>)
      %dma_wait3A_336 = arith.constant 0 : i32
      %dma_wait3A_337 = tpu.memref_slice %arg9[%add3A_331, %dma_wait3A_336] : memref<163840x1xi32, #tpu.memory_space<any>> -> memref<160x1xi32, #tpu.memory_space<any>>
      tpu.wait_dma2 semaphore(%arg24 : memref<!tpu.dma_semaphore, #tpu.memory_space<semaphore_mem>>) src(%dma_wait3A_337 : memref<160x1xi32, #tpu.memory_space<any>>) dst(%arg20 : memref<160x1xi32, #tpu.memory_space<vmem>>)
      %get3A_338 = arith.constant 0 : index
      %get3A_339 = arith.constant 0 : index
      %get3A_340 = vector.load %arg19[%get3A_338, %get3A_339] : memref<160x256xf32, #tpu.memory_space<vmem>>, vector<160x256xf32>
      %slice3A_341 = vector.extract_strided_slice %get3A_340 {offsets = [0, 0], sizes = [160, 64], strides = [1, 1]} : vector<160x256xf32> to vector<160x64xf32>
      %slice3A_342 = vector.extract_strided_slice %get3A_340 {offsets = [0, 128], sizes = [160, 128], strides = [1, 1]} : vector<160x256xf32> to vector<160x128xf32>
      %get3A_343 = arith.constant 0 : index
      %get3A_344 = arith.constant 0 : index
      %get3A_345 = vector.load %arg20[%get3A_343, %get3A_344] : memref<160x1xi32, #tpu.memory_space<vmem>>, vector<160x1xi32>
      %sub3A_346 = vector.broadcast %mul3A_0 : i32 to vector<160x1xi32>
      %sub3A_347 = arith.subi %get3A_345, %sub3A_346 : vector<160x1xi32>
      %convert_element_type3A_348 = arith.truncf %slice3A_341 : vector<160x64xf32> to vector<160x64xbf16>
      %iota3A_349 = tpu.iota {dimensions = array<i32: 1>} : vector<160x1024xi32>
      %jit3A_350 = arith.constant 64 : i32
      %div3A_351 = vector.broadcast %jit3A_350 : i32 to vector<160x1024xi32>
      %div3A_352 = arith.divsi %iota3A_349, %div3A_351 : vector<160x1024xi32>
      %sign3A_353 = arith.constant 0 : i32
      %sign3A_354 = vector.broadcast %sign3A_353 : i32 to vector<160x1024xi32>
      %sign3A_355 = arith.cmpi sgt, %iota3A_349, %sign3A_354 : vector<160x1024xi32>
      %sign3A_356 = arith.extui %sign3A_355 : vector<160x1024xi1> to vector<160x1024xi32>
      %sign3A_357 = arith.constant 0 : i32
      %sign3A_358 = vector.broadcast %sign3A_357 : i32 to vector<160x1024xi32>
      %sign3A_359 = arith.cmpi slt, %iota3A_349, %sign3A_358 : vector<160x1024xi32>
      %sign3A_360 = arith.extui %sign3A_359 : vector<160x1024xi1> to vector<160x1024xi32>
      %sign3A_361 = arith.subi %sign3A_356, %sign3A_360 : vector<160x1024xi32>
      %sign3A_362 = arith.constant 0 : i32
      %sign3A_363 = arith.cmpi sgt, %jit3A_350, %sign3A_362 : i32
      %sign3A_364 = arith.extui %sign3A_363 : i1 to i32
      %sign3A_365 = arith.constant 0 : i32
      %sign3A_366 = arith.cmpi slt, %jit3A_350, %sign3A_365 : i32
      %sign3A_367 = arith.extui %sign3A_366 : i1 to i32
      %sign3A_368 = arith.subi %sign3A_364, %sign3A_367 : i32
      %ne3A_369 = vector.broadcast %sign3A_368 : i32 to vector<160x1024xi32>
      %ne3A_370 = arith.cmpi ne, %sign3A_361, %ne3A_369 : vector<160x1024xi32>
      %rem3A_371 = vector.broadcast %jit3A_350 : i32 to vector<160x1024xi32>
      %rem3A_372 = arith.remsi %iota3A_349, %rem3A_371 : vector<160x1024xi32>
      %ne3A_373 = arith.constant 0 : i32
      %ne3A_374 = vector.broadcast %ne3A_373 : i32 to vector<160x1024xi32>
      %ne3A_375 = arith.cmpi ne, %rem3A_372, %ne3A_374 : vector<160x1024xi32>
      %and3A_376 = arith.andi %ne3A_370, %ne3A_375 : vector<160x1024xi1>
      %sub3A_377 = arith.constant 1 : i32
      %sub3A_378 = vector.broadcast %sub3A_377 : i32 to vector<160x1024xi32>
      %sub3A_379 = arith.subi %div3A_352, %sub3A_378 : vector<160x1024xi32>
      %select_n3A_380 = arith.select %and3A_376, %sub3A_379, %div3A_352 : vector<160x1024xi1>, vector<160x1024xi32>
      %eq3A_381 = vector.broadcast %sub3A_347 : vector<160x1xi32> to vector<160x1024xi32>
      %eq3A_382 = arith.cmpi eq, %select_n3A_380, %eq3A_381 : vector<160x1024xi32>
      %concatenate3A_383 = tpu.concatenate %convert_element_type3A_348, %convert_element_type3A_348, %convert_element_type3A_348, %convert_element_type3A_348, %convert_element_type3A_348, %convert_element_type3A_348, %convert_element_type3A_348, %convert_element_type3A_348, %convert_element_type3A_348, %convert_element_type3A_348, %convert_element_type3A_348, %convert_element_type3A_348, %convert_element_type3A_348, %convert_element_type3A_348, %convert_element_type3A_348, %convert_element_type3A_348 in 1 : vector<160x64xbf16>, vector<160x64xbf16>, vector<160x64xbf16>, vector<160x64xbf16>, vector<160x64xbf16>, vector<160x64xbf16>, vector<160x64xbf16>, vector<160x64xbf16>, vector<160x64xbf16>, vector<160x64xbf16>, vector<160x64xbf16>, vector<160x64xbf16>, vector<160x64xbf16>, vector<160x64xbf16>, vector<160x64xbf16>, vector<160x64xbf16> -> vector<160x1024xbf16>
      %jit3A_384 = arith.constant 0.000000e+00 : bf16
      %broadcast_in_dim3A_385 = vector.broadcast %jit3A_384 : bf16 to vector<160x1024xbf16>
      %select_n3A_386 = arith.select %eq3A_382, %concatenate3A_383, %broadcast_in_dim3A_385 : vector<160x1024xi1>, vector<160x1024xbf16>
      %convert_element_type3A_387 = arith.truncf %slice3A_342 : vector<160x128xf32> to vector<160x128xbf16>
      %dot_general3A_388 = arith.constant dense<0.000000e+00> : vector<1024x128xf32>
      %dot_general3A_389 = tpu.matmul %select_n3A_386, %convert_element_type3A_387, %dot_general3A_388 {dimension_numbers = #tpu.dot_dimension_numbers<[0], [0], [1], [1], [0, 1, 1, 1], [], []>, transpose_lhs_hint = false} : vector<160x1024xbf16>, vector<160x128xbf16>, vector<1024x128xf32> -> vector<1024x128xf32>
      %iota3A_390 = tpu.iota {dimensions = array<i32: 1>} : vector<160x16xi32>
      %eq3A_391 = vector.broadcast %sub3A_347 : vector<160x1xi32> to vector<160x16xi32>
      %eq3A_392 = arith.cmpi eq, %eq3A_391, %iota3A_390 : vector<160x16xi32>
      %convert_element_type3A_393 = arith.extui %eq3A_392 : vector<160x16xi1> to vector<160x16xi32>
      %convert_element_type3A_394 = arith.sitofp %convert_element_type3A_393 : vector<160x16xi32> to vector<160x16xf32>
      %convert_element_type3A_395 = arith.truncf %convert_element_type3A_394 : vector<160x16xf32> to vector<160x16xbf16>
      %dot_general3A_396 = arith.constant dense<0.000000e+00> : vector<16x64xf32>
      %dot_general3A_397 = tpu.matmul %convert_element_type3A_395, %convert_element_type3A_348, %dot_general3A_396 {dimension_numbers = #tpu.dot_dimension_numbers<[0], [0], [1], [1], [0, 1, 1, 1], [], []>, transpose_lhs_hint = false} : vector<160x16xbf16>, vector<160x64xbf16>, vector<16x64xf32> -> vector<16x64xf32>
      %get3A_398 = arith.constant 0 : index
      %get3A_399 = arith.constant 0 : index
      %get3A_400 = vector.load %arg21[%get3A_398, %get3A_399] : memref<1024x128xf32, #tpu.memory_space<vmem>>, vector<1024x128xf32>
      %add3A_401 = arith.addf %get3A_400, %dot_general3A_389 : vector<1024x128xf32>
      %swap3A_402 = arith.constant 0 : index
      %swap3A_403 = arith.constant 0 : index
      %swap3A_404 = vector.load %arg21[%swap3A_402, %swap3A_403] : memref<1024x128xf32, #tpu.memory_space<vmem>>, vector<1024x128xf32>
      tpu.vector_store %arg21[%swap3A_402, %swap3A_403], %add3A_401 {strides = array<i32>} : memref<1024x128xf32, #tpu.memory_space<vmem>>, vector<1024x128xf32>,
      %get3A_405 = arith.constant 0 : index
      %get3A_406 = arith.constant 0 : index
      %get3A_407 = vector.load %arg22[%get3A_405, %get3A_406] : memref<16x64xf32, #tpu.memory_space<vmem>>, vector<16x64xf32>
      %add3A_408 = arith.addf %get3A_407, %dot_general3A_397 : vector<16x64xf32>
      %swap3A_409 = arith.constant 0 : index
      %swap3A_410 = arith.constant 0 : index
      %swap3A_411 = vector.load %arg22[%swap3A_409, %swap3A_410] : memref<16x64xf32, #tpu.memory_space<vmem>>, vector<16x64xf32>
      tpu.vector_store %arg22[%swap3A_409, %swap3A_410], %add3A_408 {strides = array<i32>} : memref<16x64xf32, #tpu.memory_space<vmem>>, vector<16x64xf32>,
      %while3A_412 = arith.constant 0 : i32
      scf.yield %while3A_412 : i32
    }
    %while3A_194 = arith.constant 1 : i32
    %while3A_195 = scf.for %while3A_327 = %while3A_191 to %while3A_187 step %while3A_194 iter_args(%while3A_328 = %while3A_193) -> (i32)  : i32 {
      %mul3A_329 = arith.constant 160 : i32
      %mul3A_330 = arith.muli %while3A_327, %mul3A_329 : i32
      %add3A_331 = arith.addi %mul3A_154, %mul3A_330 : i32
      %dma_start3A = arith.constant 0 : i32
      %dma_start3A_332 = tpu.memref_slice %arg8[%add3A_331, %dma_start3A] : memref<163840x256xf32, #tpu.memory_space<any>> -> memref<160x256xf32, #tpu.memory_space<any>>
      tpu.enqueue_dma source(%dma_start3A_332 : memref<160x256xf32, #tpu.memory_space<any>>) target(%arg19 : memref<160x256xf32, #tpu.memory_space<vmem>>) target_semaphore(%arg23 : memref<!tpu.dma_semaphore, #tpu.memory_space<semaphore_mem>>)
      %dma_start3A_333 = arith.constant 0 : i32
      %dma_start3A_334 = tpu.memref_slice %arg9[%add3A_331, %dma_start3A_333] : memref<163840x1xi32, #tpu.memory_space<any>> -> memref<160x1xi32, #tpu.memory_space<any>>
      tpu.enqueue_dma source(%dma_start3A_334 : memref<160x1xi32, #tpu.memory_space<any>>) target(%arg20 : memref<160x1xi32, #tpu.memory_space<vmem>>) target_semaphore(%arg24 : memref<!tpu.dma_semaphore, #tpu.memory_space<semaphore_mem>>)
      %dma_wait3A = arith.constant 0 : i32
      %dma_wait3A_335 = tpu.memref_slice %arg8[%add3A_331, %dma_wait3A] : memref<163840x256xf32, #tpu.memory_space<any>> -> memref<160x256xf32, #tpu.memory_space<any>>
      tpu.wait_dma2 semaphore(%arg23 : memref<!tpu.dma_semaphore, #tpu.memory_space<semaphore_mem>>) src(%dma_wait3A_335 : memref<160x256xf32, #tpu.memory_space<any>>) dst(%arg19 : memref<160x256xf32, #tpu.memory_space<vmem>>)
      %dma_wait3A_336 = arith.constant 0 : i32
      %dma_wait3A_337 = tpu.memref_slice %arg9[%add3A_331, %dma_wait3A_336] : memref<163840x1xi32, #tpu.memory_space<any>> -> memref<160x1xi32, #tpu.memory_space<any>>
      tpu.wait_dma2 semaphore(%arg24 : memref<!tpu.dma_semaphore, #tpu.memory_space<semaphore_mem>>) src(%dma_wait3A_337 : memref<160x1xi32, #tpu.memory_space<any>>) dst(%arg20 : memref<160x1xi32, #tpu.memory_space<vmem>>)
      %get3A_338 = arith.constant 0 : index
      %get3A_339 = arith.constant 0 : index
      %get3A_340 = vector.load %arg19[%get3A_338, %get3A_339] : memref<160x256xf32, #tpu.memory_space<vmem>>, vector<160x256xf32>
      %slice3A_341 = vector.extract_strided_slice %get3A_340 {offsets = [0, 0], sizes = [160, 64], strides = [1, 1]} : vector<160x256xf32> to vector<160x64xf32>
      %slice3A_342 = vector.extract_strided_slice %get3A_340 {offsets = [0, 128], sizes = [160, 128], strides = [1, 1]} : vector<160x256xf32> to vector<160x128xf32>
      %get3A_343 = arith.constant 0 : index
      %get3A_344 = arith.constant 0 : index
      %get3A_345 = vector.load %arg20[%get3A_343, %get3A_344] : memref<160x1xi32, #tpu.memory_space<vmem>>, vector<160x1xi32>
      %sub3A_346 = vector.broadcast %mul3A_0 : i32 to vector<160x1xi32>
      %sub3A_347 = arith.subi %get3A_345, %sub3A_346 : vector<160x1xi32>
      %convert_element_type3A_348 = arith.truncf %slice3A_341 : vector<160x64xf32> to vector<160x64xbf16>
      %iota3A_349 = tpu.iota {dimensions = array<i32: 1>} : vector<160x1024xi32>
      %jit3A_350 = arith.constant 64 : i32
      %div3A_351 = vector.broadcast %jit3A_350 : i32 to vector<160x1024xi32>
      %div3A_352 = arith.divsi %iota3A_349, %div3A_351 : vector<160x1024xi32>
      %sign3A_353 = arith.constant 0 : i32
      %sign3A_354 = vector.broadcast %sign3A_353 : i32 to vector<160x1024xi32>
      %sign3A_355 = arith.cmpi sgt, %iota3A_349, %sign3A_354 : vector<160x1024xi32>
      %sign3A_356 = arith.extui %sign3A_355 : vector<160x1024xi1> to vector<160x1024xi32>
      %sign3A_357 = arith.constant 0 : i32
      %sign3A_358 = vector.broadcast %sign3A_357 : i32 to vector<160x1024xi32>
      %sign3A_359 = arith.cmpi slt, %iota3A_349, %sign3A_358 : vector<160x1024xi32>
      %sign3A_360 = arith.extui %sign3A_359 : vector<160x1024xi1> to vector<160x1024xi32>
      %sign3A_361 = arith.subi %sign3A_356, %sign3A_360 : vector<160x1024xi32>
      %sign3A_362 = arith.constant 0 : i32
      %sign3A_363 = arith.cmpi sgt, %jit3A_350, %sign3A_362 : i32
      %sign3A_364 = arith.extui %sign3A_363 : i1 to i32
      %sign3A_365 = arith.constant 0 : i32
      %sign3A_366 = arith.cmpi slt, %jit3A_350, %sign3A_365 : i32
      %sign3A_367 = arith.extui %sign3A_366 : i1 to i32
      %sign3A_368 = arith.subi %sign3A_364, %sign3A_367 : i32
      %ne3A_369 = vector.broadcast %sign3A_368 : i32 to vector<160x1024xi32>
      %ne3A_370 = arith.cmpi ne, %sign3A_361, %ne3A_369 : vector<160x1024xi32>
      %rem3A_371 = vector.broadcast %jit3A_350 : i32 to vector<160x1024xi32>
      %rem3A_372 = arith.remsi %iota3A_349, %rem3A_371 : vector<160x1024xi32>
      %ne3A_373 = arith.constant 0 : i32
      %ne3A_374 = vector.broadcast %ne3A_373 : i32 to vector<160x1024xi32>
      %ne3A_375 = arith.cmpi ne, %rem3A_372, %ne3A_374 : vector<160x1024xi32>
      %and3A_376 = arith.andi %ne3A_370, %ne3A_375 : vector<160x1024xi1>
      %sub3A_377 = arith.constant 1 : i32
      %sub3A_378 = vector.broadcast %sub3A_377 : i32 to vector<160x1024xi32>
      %sub3A_379 = arith.subi %div3A_352, %sub3A_378 : vector<160x1024xi32>
      %select_n3A_380 = arith.select %and3A_376, %sub3A_379, %div3A_352 : vector<160x1024xi1>, vector<160x1024xi32>
      %eq3A_381 = vector.broadcast %sub3A_347 : vector<160x1xi32> to vector<160x1024xi32>
      %eq3A_382 = arith.cmpi eq, %select_n3A_380, %eq3A_381 : vector<160x1024xi32>
      %concatenate3A_383 = tpu.concatenate %convert_element_type3A_348, %convert_element_type3A_348, %convert_element_type3A_348, %convert_element_type3A_348, %convert_element_type3A_348, %convert_element_type3A_348, %convert_element_type3A_348, %convert_element_type3A_348, %convert_element_type3A_348, %convert_element_type3A_348, %convert_element_type3A_348, %convert_element_type3A_348, %convert_element_type3A_348, %convert_element_type3A_348, %convert_element_type3A_348, %convert_element_type3A_348 in 1 : vector<160x64xbf16>, vector<160x64xbf16>, vector<160x64xbf16>, vector<160x64xbf16>, vector<160x64xbf16>, vector<160x64xbf16>, vector<160x64xbf16>, vector<160x64xbf16>, vector<160x64xbf16>, vector<160x64xbf16>, vector<160x64xbf16>, vector<160x64xbf16>, vector<160x64xbf16>, vector<160x64xbf16>, vector<160x64xbf16>, vector<160x64xbf16> -> vector<160x1024xbf16>
      %jit3A_384 = arith.constant 0.000000e+00 : bf16
      %broadcast_in_dim3A_385 = vector.broadcast %jit3A_384 : bf16 to vector<160x1024xbf16>
      %select_n3A_386 = arith.select %eq3A_382, %concatenate3A_383, %broadcast_in_dim3A_385 : vector<160x1024xi1>, vector<160x1024xbf16>
      %convert_element_type3A_387 = arith.truncf %slice3A_342 : vector<160x128xf32> to vector<160x128xbf16>
      %dot_general3A_388 = arith.constant dense<0.000000e+00> : vector<1024x128xf32>
      %dot_general3A_389 = tpu.matmul %select_n3A_386, %convert_element_type3A_387, %dot_general3A_388 {dimension_numbers = #tpu.dot_dimension_numbers<[0], [0], [1], [1], [0, 1, 1, 1], [], []>, transpose_lhs_hint = false} : vector<160x1024xbf16>, vector<160x128xbf16>, vector<1024x128xf32> -> vector<1024x128xf32>
      %iota3A_390 = tpu.iota {dimensions = array<i32: 1>} : vector<160x16xi32>
      %eq3A_391 = vector.broadcast %sub3A_347 : vector<160x1xi32> to vector<160x16xi32>
      %eq3A_392 = arith.cmpi eq, %eq3A_391, %iota3A_390 : vector<160x16xi32>
      %convert_element_type3A_393 = arith.extui %eq3A_392 : vector<160x16xi1> to vector<160x16xi32>
      %convert_element_type3A_394 = arith.sitofp %convert_element_type3A_393 : vector<160x16xi32> to vector<160x16xf32>
      %convert_element_type3A_395 = arith.truncf %convert_element_type3A_394 : vector<160x16xf32> to vector<160x16xbf16>
      %dot_general3A_396 = arith.constant dense<0.000000e+00> : vector<16x64xf32>
      %dot_general3A_397 = tpu.matmul %convert_element_type3A_395, %convert_element_type3A_348, %dot_general3A_396 {dimension_numbers = #tpu.dot_dimension_numbers<[0], [0], [1], [1], [0, 1, 1, 1], [], []>, transpose_lhs_hint = false} : vector<160x16xbf16>, vector<160x64xbf16>, vector<16x64xf32> -> vector<16x64xf32>
      %get3A_398 = arith.constant 0 : index
      %get3A_399 = arith.constant 0 : index
      %get3A_400 = vector.load %arg21[%get3A_398, %get3A_399] : memref<1024x128xf32, #tpu.memory_space<vmem>>, vector<1024x128xf32>
      %add3A_401 = arith.addf %get3A_400, %dot_general3A_389 : vector<1024x128xf32>
      %swap3A_402 = arith.constant 0 : index
      %swap3A_403 = arith.constant 0 : index
      %swap3A_404 = vector.load %arg21[%swap3A_402, %swap3A_403] : memref<1024x128xf32, #tpu.memory_space<vmem>>, vector<1024x128xf32>
      tpu.vector_store %arg21[%swap3A_402, %swap3A_403], %add3A_401 {strides = array<i32>} : memref<1024x128xf32, #tpu.memory_space<vmem>>, vector<1024x128xf32>,
      %get3A_405 = arith.constant 0 : index
      %get3A_406 = arith.constant 0 : index
      %get3A_407 = vector.load %arg22[%get3A_405, %get3A_406] : memref<16x64xf32, #tpu.memory_space<vmem>>, vector<16x64xf32>
      %add3A_408 = arith.addf %get3A_407, %dot_general3A_397 : vector<16x64xf32>
      %swap3A_409 = arith.constant 0 : index
      %swap3A_410 = arith.constant 0 : index
      %swap3A_411 = vector.load %arg22[%swap3A_409, %swap3A_410] : memref<16x64xf32, #tpu.memory_space<vmem>>, vector<16x64xf32>
      tpu.vector_store %arg22[%swap3A_409, %swap3A_410], %add3A_408 {strides = array<i32>} : memref<16x64xf32, #tpu.memory_space<vmem>>, vector<16x64xf32>,
      %while3A_412 = arith.constant 0 : i32
      scf.yield %while3A_412 : i32
    }
    %get3A_196 = arith.constant 0 : index
    %get3A_197 = arith.constant 0 : index
    %get3A_198 = memref.load %arg13[%get3A_196, %get3A_197] : memref<1x1xf32, #tpu.memory_space<smem>>
    %get3A_199 = arith.constant 0 : index
    %get3A_200 = arith.constant 0 : index
    %get3A_201 = vector.load %arg22[%get3A_199, %get3A_200] : memref<16x64xf32, #tpu.memory_space<vmem>>, vector<16x64xf32>
    %mul3A_202 = vector.broadcast %get3A_198 : f32 to vector<16x64xf32>
    %mul3A_203 = arith.mulf %get3A_201, %mul3A_202 : vector<16x64xf32>
    %get3A_204 = arith.constant 0 : index
    %get3A_205 = arith.constant 0 : index
    %get3A_206 = vector.load %arg21[%get3A_204, %get3A_205] : memref<1024x128xf32, #tpu.memory_space<vmem>>, vector<1024x128xf32>
    %mul3A_207 = arith.constant 5.000000e-01 : f32
    %mul3A_208 = vector.broadcast %mul3A_207 : f32 to vector<1024x128xf32>
    %mul3A_209 = arith.mulf %mul3A_208, %get3A_206 : vector<1024x128xf32>
    %mul3A_210 = arith.constant 0.707106769 : f32
    %mul3A_211 = vector.broadcast %mul3A_210 : f32 to vector<1024x128xf32>
    %mul3A_212 = arith.mulf %get3A_206, %mul3A_211 : vector<1024x128xf32>
    %erf3A = math.erf %mul3A_212 : vector<1024x128xf32>
    %add3A_213 = arith.constant 1.000000e+00 : f32
    %add3A_214 = vector.broadcast %add3A_213 : f32 to vector<1024x128xf32>
    %add3A_215 = arith.addf %add3A_214, %erf3A : vector<1024x128xf32>
    %mul3A_216 = arith.mulf %mul3A_209, %add3A_215 : vector<1024x128xf32>
    %iota3A_217 = tpu.iota {dimensions = array<i32: 1>} : vector<16x1024xi32>
    %jit3A_218 = arith.constant 64 : i32
    %div3A_219 = vector.broadcast %jit3A_218 : i32 to vector<16x1024xi32>
    %div3A_220 = arith.divsi %iota3A_217, %div3A_219 : vector<16x1024xi32>
    %sign3A_221 = arith.constant 0 : i32
    %sign3A_222 = vector.broadcast %sign3A_221 : i32 to vector<16x1024xi32>
    %sign3A_223 = arith.cmpi sgt, %iota3A_217, %sign3A_222 : vector<16x1024xi32>
    %sign3A_224 = arith.extui %sign3A_223 : vector<16x1024xi1> to vector<16x1024xi32>
    %sign3A_225 = arith.constant 0 : i32
    %sign3A_226 = vector.broadcast %sign3A_225 : i32 to vector<16x1024xi32>
    %sign3A_227 = arith.cmpi slt, %iota3A_217, %sign3A_226 : vector<16x1024xi32>
    %sign3A_228 = arith.extui %sign3A_227 : vector<16x1024xi1> to vector<16x1024xi32>
    %sign3A_229 = arith.subi %sign3A_224, %sign3A_228 : vector<16x1024xi32>
    %sign3A_230 = arith.constant 0 : i32
    %sign3A_231 = arith.cmpi sgt, %jit3A_218, %sign3A_230 : i32
    %sign3A_232 = arith.extui %sign3A_231 : i1 to i32
    %sign3A_233 = arith.constant 0 : i32
    %sign3A_234 = arith.cmpi slt, %jit3A_218, %sign3A_233 : i32
    %sign3A_235 = arith.extui %sign3A_234 : i1 to i32
    %sign3A_236 = arith.subi %sign3A_232, %sign3A_235 : i32
    %ne3A_237 = vector.broadcast %sign3A_236 : i32 to vector<16x1024xi32>
    %ne3A_238 = arith.cmpi ne, %sign3A_229, %ne3A_237 : vector<16x1024xi32>
    %rem3A_239 = vector.broadcast %jit3A_218 : i32 to vector<16x1024xi32>
    %rem3A_240 = arith.remsi %iota3A_217, %rem3A_239 : vector<16x1024xi32>
    %ne3A_241 = arith.constant 0 : i32
    %ne3A_242 = vector.broadcast %ne3A_241 : i32 to vector<16x1024xi32>
    %ne3A_243 = arith.cmpi ne, %rem3A_240, %ne3A_242 : vector<16x1024xi32>
    %and3A_244 = arith.andi %ne3A_238, %ne3A_243 : vector<16x1024xi1>
    %sub3A_245 = arith.constant 1 : i32
    %sub3A_246 = vector.broadcast %sub3A_245 : i32 to vector<16x1024xi32>
    %sub3A_247 = arith.subi %div3A_220, %sub3A_246 : vector<16x1024xi32>
    %select_n3A_248 = arith.select %and3A_244, %sub3A_247, %div3A_220 : vector<16x1024xi1>, vector<16x1024xi32>
    %iota3A_249 = tpu.iota {dimensions = array<i32: 0>} : vector<16x1024xi32>
    %eq3A_250 = arith.cmpi eq, %select_n3A_248, %iota3A_249 : vector<16x1024xi32>
    %concatenate3A_251 = tpu.concatenate %mul3A_203, %mul3A_203, %mul3A_203, %mul3A_203, %mul3A_203, %mul3A_203, %mul3A_203, %mul3A_203, %mul3A_203, %mul3A_203, %mul3A_203, %mul3A_203, %mul3A_203, %mul3A_203, %mul3A_203, %mul3A_203 in 1 : vector<16x64xf32>, vector<16x64xf32>, vector<16x64xf32>, vector<16x64xf32>, vector<16x64xf32>, vector<16x64xf32>, vector<16x64xf32>, vector<16x64xf32>, vector<16x64xf32>, vector<16x64xf32>, vector<16x64xf32>, vector<16x64xf32>, vector<16x64xf32>, vector<16x64xf32>, vector<16x64xf32>, vector<16x64xf32> -> vector<16x1024xf32>
    %jit3A_252 = arith.constant 0.000000e+00 : f32
    %broadcast_in_dim3A_253 = vector.broadcast %jit3A_252 : f32 to vector<16x1024xf32>
    %select_n3A_254 = arith.select %eq3A_250, %concatenate3A_251, %broadcast_in_dim3A_253 : vector<16x1024xi1>, vector<16x1024xf32>
    %dot_general3A_255 = arith.constant dense<0.000000e+00> : vector<16x128xf32>
    %dot_general3A_256 = tpu.matmul %select_n3A_254, %mul3A_216, %dot_general3A_255 {dimension_numbers = #tpu.dot_dimension_numbers<[1], [0], [0], [1], [0, 0, 1, 1], [], []>, transpose_lhs_hint = false} : vector<16x1024xf32>, vector<1024x128xf32>, vector<16x128xf32> -> vector<16x128xf32>
    %get3A_257 = arith.constant 0 : index
    %get3A_258 = arith.constant 0 : index
    %get3A_259 = vector.load %arg10[%get3A_257, %get3A_258] : memref<16x128xf32, #tpu.memory_space<vmem>>, vector<16x128xf32>
    %concatenate3A_260 = tpu.concatenate %get3A_259, %dot_general3A_256 in 1 : vector<16x128xf32>, vector<16x128xf32> -> vector<16x256xf32>
    %get3A_261 = arith.constant 0 : index
    %get3A_262 = arith.constant 0 : index
    %get3A_263 = vector.load %arg14[%get3A_261, %get3A_262] : memref<1x256xf32, #tpu.memory_space<vmem>>, vector<1x256xf32>
    %get3A_264 = arith.constant 0 : index
    %get3A_265 = arith.constant 0 : index
    %get3A_266 = vector.load %arg15[%get3A_264, %get3A_265] : memref<1x256xf32, #tpu.memory_space<vmem>>, vector<1x256xf32>
    %reduce_sum3A = arith.constant dense<0.000000e+00> : vector<16xf32>
    %reduce_sum3A_267 = vector.multi_reduction <add>, %concatenate3A_260, %reduce_sum3A [1] : vector<16x256xf32> to vector<16xf32>
    %broadcast_in_dim3A_268 = vector.shape_cast %reduce_sum3A_267 : vector<16xf32> to vector<16x1xf32>
    %div3A_269 = arith.constant 2.560000e+02 : f32
    %div3A_270 = vector.broadcast %div3A_269 : f32 to vector<16x1xf32>
    %div3A_271 = arith.divf %broadcast_in_dim3A_268, %div3A_270 : vector<16x1xf32>
    %sub3A_272 = vector.broadcast %div3A_271 : vector<16x1xf32> to vector<16x256xf32>
    %sub3A_273 = arith.subf %concatenate3A_260, %sub3A_272 : vector<16x256xf32>
    %sub3A_274 = vector.broadcast %div3A_271 : vector<16x1xf32> to vector<16x256xf32>
    %sub3A_275 = arith.subf %concatenate3A_260, %sub3A_274 : vector<16x256xf32>
    %mul3A_276 = arith.mulf %sub3A_273, %sub3A_275 : vector<16x256xf32>
    %reduce_sum3A_277 = arith.constant dense<0.000000e+00> : vector<16xf32>
    %reduce_sum3A_278 = vector.multi_reduction <add>, %mul3A_276, %reduce_sum3A_277 [1] : vector<16x256xf32> to vector<16xf32>
    %broadcast_in_dim3A_279 = vector.shape_cast %reduce_sum3A_278 : vector<16xf32> to vector<16x1xf32>
    %div3A_280 = arith.constant 2.560000e+02 : f32
    %div3A_281 = vector.broadcast %div3A_280 : f32 to vector<16x1xf32>
    %div3A_282 = arith.divf %broadcast_in_dim3A_279, %div3A_281 : vector<16x1xf32>
    %sub3A_283 = vector.broadcast %div3A_271 : vector<16x1xf32> to vector<16x256xf32>
    %sub3A_284 = arith.subf %concatenate3A_260, %sub3A_283 : vector<16x256xf32>
    %add3A_285 = arith.constant 9.99999974E-6 : f32
    %add3A_286 = vector.broadcast %add3A_285 : f32 to vector<16x1xf32>
    %add3A_287 = arith.addf %div3A_282, %add3A_286 : vector<16x1xf32>
    %rsqrt3A = math.rsqrt %add3A_287 : vector<16x1xf32>
    %mul3A_288 = vector.broadcast %rsqrt3A : vector<16x1xf32> to vector<16x256xf32>
    %mul3A_289 = arith.mulf %sub3A_284, %mul3A_288 : vector<16x256xf32>
    %mul3A_290 = vector.broadcast %get3A_263 : vector<1x256xf32> to vector<16x256xf32>
    %mul3A_291 = arith.mulf %mul3A_289, %mul3A_290 : vector<16x256xf32>
    %add3A_292 = vector.broadcast %get3A_266 : vector<1x256xf32> to vector<16x256xf32>
    %add3A_293 = arith.addf %mul3A_291, %add3A_292 : vector<16x256xf32>
    %mul3A_294 = arith.constant 5.000000e-01 : f32
    %mul3A_295 = vector.broadcast %mul3A_294 : f32 to vector<16x256xf32>
    %mul3A_296 = arith.mulf %mul3A_295, %add3A_293 : vector<16x256xf32>
    %mul3A_297 = arith.constant 0.707106769 : f32
    %mul3A_298 = vector.broadcast %mul3A_297 : f32 to vector<16x256xf32>
    %mul3A_299 = arith.mulf %add3A_293, %mul3A_298 : vector<16x256xf32>
    %erf3A_300 = math.erf %mul3A_299 : vector<16x256xf32>
    %add3A_301 = arith.constant 1.000000e+00 : f32
    %add3A_302 = vector.broadcast %add3A_301 : f32 to vector<16x256xf32>
    %add3A_303 = arith.addf %add3A_302, %erf3A_300 : vector<16x256xf32>
    %mul3A_304 = arith.mulf %mul3A_296, %add3A_303 : vector<16x256xf32>
    %get3A_305 = arith.constant 0 : index
    %get3A_306 = arith.constant 0 : index
    %get3A_307 = vector.load %arg16[%get3A_305, %get3A_306] : memref<128x256xf32, #tpu.memory_space<vmem>>, vector<128x256xf32>
    %dot_general3A_308 = arith.constant dense<0.000000e+00> : vector<16x128xf32>
    %dot_general3A_309 = tpu.matmul %mul3A_304, %get3A_307, %dot_general3A_308 {dimension_numbers = #tpu.dot_dimension_numbers<[1], [1], [0], [0], [0, 0, 1, 0], [], []>, transpose_lhs_hint = false} : vector<16x256xf32>, vector<128x256xf32>, vector<16x128xf32> -> vector<16x128xf32>
    %get3A_310 = arith.constant 0 : index
    %get3A_311 = arith.constant 0 : index
    %get3A_312 = vector.load %arg17[%get3A_310, %get3A_311] : memref<1x128xf32, #tpu.memory_space<vmem>>, vector<1x128xf32>
    %add3A_313 = vector.broadcast %get3A_312 : vector<1x128xf32> to vector<16x128xf32>
    %add3A_314 = arith.addf %dot_general3A_309, %add3A_313 : vector<16x128xf32>
    %reduce_max3A = arith.constant dense<0xFF800000> : vector<16xf32>
    %reduce_max3A_315 = vector.multi_reduction <maximumf>, %add3A_314, %reduce_max3A [1] : vector<16x128xf32> to vector<16xf32>
    %broadcast_in_dim3A_316 = vector.shape_cast %reduce_max3A_315 : vector<16xf32> to vector<16x1xf32>
    %sub3A_317 = vector.broadcast %broadcast_in_dim3A_316 : vector<16x1xf32> to vector<16x128xf32>
    %sub3A_318 = arith.subf %add3A_314, %sub3A_317 : vector<16x128xf32>
    %exp3A = math.exp %sub3A_318 : vector<16x128xf32>
    %reduce_sum3A_319 = arith.constant dense<0.000000e+00> : vector<16xf32>
    %reduce_sum3A_320 = vector.multi_reduction <add>, %exp3A, %reduce_sum3A_319 [1] : vector<16x128xf32> to vector<16xf32>
    %broadcast_in_dim3A_321 = vector.shape_cast %reduce_sum3A_320 : vector<16xf32> to vector<16x1xf32>
    %log3A = math.log %broadcast_in_dim3A_321 : vector<16x1xf32>
    %sub3A_322 = vector.broadcast %log3A : vector<16x1xf32> to vector<16x128xf32>
    %sub3A_323 = arith.subf %sub3A_318, %sub3A_322 : vector<16x128xf32>
    %swap3A_324 = arith.constant 0 : index
    %swap3A_325 = arith.constant 0 : index
    %swap3A_326 = vector.load %arg18[%swap3A_324, %swap3A_325] : memref<16x128xf32, #tpu.memory_space<vmem>>, vector<16x128xf32>
    tpu.vector_store %arg18[%swap3A_324, %swap3A_325], %sub3A_323 {strides = array<i32>} : memref<16x128xf32, #tpu.memory_space<vmem>>, vector<16x128xf32>,
    return
  }
  func.func @transform_0(%arg0: i32, %arg1: memref<626xi32, #tpu.memory_space<smem>>) -> (i32, i32) {
    %get3A = arith.index_cast %arg0 : i32 to index
    %get3A_0 = memref.load %arg1[%get3A] : memref<626xi32, #tpu.memory_space<smem>>
    %jit3A = arith.constant 160 : i32
    %div3A = arith.divsi %get3A_0, %jit3A : i32
    %sign3A = arith.constant 0 : i32
    %sign3A_1 = arith.cmpi sgt, %get3A_0, %sign3A : i32
    %sign3A_2 = arith.extui %sign3A_1 : i1 to i32
    %sign3A_3 = arith.constant 0 : i32
    %sign3A_4 = arith.cmpi slt, %get3A_0, %sign3A_3 : i32
    %sign3A_5 = arith.extui %sign3A_4 : i1 to i32
    %sign3A_6 = arith.subi %sign3A_2, %sign3A_5 : i32
    %sign3A_7 = arith.constant 0 : i32
    %sign3A_8 = arith.cmpi sgt, %jit3A, %sign3A_7 : i32
    %sign3A_9 = arith.extui %sign3A_8 : i1 to i32
    %sign3A_10 = arith.constant 0 : i32
    %sign3A_11 = arith.cmpi slt, %jit3A, %sign3A_10 : i32
    %sign3A_12 = arith.extui %sign3A_11 : i1 to i32
    %sign3A_13 = arith.subi %sign3A_9, %sign3A_12 : i32
    %ne3A = arith.cmpi ne, %sign3A_6, %sign3A_13 : i32
    %rem3A = arith.remsi %get3A_0, %jit3A : i32
    %ne3A_14 = arith.constant 0 : i32
    %ne3A_15 = arith.cmpi ne, %rem3A, %ne3A_14 : i32
    %and3A = arith.andi %ne3A, %ne3A_15 : i1
    %sub3A = arith.constant 1 : i32
    %sub3A_16 = arith.subi %div3A, %sub3A : i32
    %select_n3A = arith.select %and3A, %sub3A_16, %div3A : i32
    %add3A = arith.constant 0 : i32
    %add3A_17 = arith.addi %select_n3A, %add3A : i32
    %c0_i32 = arith.constant 0 : i32
    %c0_i32_18 = arith.constant 0 : i32
    return %add3A_17, %c0_i32 : i32, i32
  }
  func.func @transform_1(%arg0: i32, %arg1: memref<626xi32, #tpu.memory_space<smem>>) -> (i32, i32) {
    %get3A = arith.index_cast %arg0 : i32 to index
    %get3A_0 = memref.load %arg1[%get3A] : memref<626xi32, #tpu.memory_space<smem>>
    %jit3A = arith.constant 160 : i32
    %div3A = arith.divsi %get3A_0, %jit3A : i32
    %sign3A = arith.constant 0 : i32
    %sign3A_1 = arith.cmpi sgt, %get3A_0, %sign3A : i32
    %sign3A_2 = arith.extui %sign3A_1 : i1 to i32
    %sign3A_3 = arith.constant 0 : i32
    %sign3A_4 = arith.cmpi slt, %get3A_0, %sign3A_3 : i32
    %sign3A_5 = arith.extui %sign3A_4 : i1 to i32
    %sign3A_6 = arith.subi %sign3A_2, %sign3A_5 : i32
    %sign3A_7 = arith.constant 0 : i32
    %sign3A_8 = arith.cmpi sgt, %jit3A, %sign3A_7 : i32
    %sign3A_9 = arith.extui %sign3A_8 : i1 to i32
    %sign3A_10 = arith.constant 0 : i32
    %sign3A_11 = arith.cmpi slt, %jit3A, %sign3A_10 : i32
    %sign3A_12 = arith.extui %sign3A_11 : i1 to i32
    %sign3A_13 = arith.subi %sign3A_9, %sign3A_12 : i32
    %ne3A = arith.cmpi ne, %sign3A_6, %sign3A_13 : i32
    %rem3A = arith.remsi %get3A_0, %jit3A : i32
    %ne3A_14 = arith.constant 0 : i32
    %ne3A_15 = arith.cmpi ne, %rem3A, %ne3A_14 : i32
    %and3A = arith.andi %ne3A, %ne3A_15 : i1
    %sub3A = arith.constant 1 : i32
    %sub3A_16 = arith.subi %div3A, %sub3A : i32
    %select_n3A = arith.select %and3A, %sub3A_16, %div3A : i32
    %add3A = arith.constant 1 : i32
    %add3A_17 = arith.addi %select_n3A, %add3A : i32
    %c0_i32 = arith.constant 0 : i32
    %c0_i32_18 = arith.constant 0 : i32
    return %add3A_17, %c0_i32 : i32, i32
  }
  func.func @transform_2(%arg0: i32, %arg1: memref<626xi32, #tpu.memory_space<smem>>) -> (i32, i32) {
    %get3A = arith.index_cast %arg0 : i32 to index
    %get3A_0 = memref.load %arg1[%get3A] : memref<626xi32, #tpu.memory_space<smem>>
    %jit3A = arith.constant 160 : i32
    %div3A = arith.divsi %get3A_0, %jit3A : i32
    %sign3A = arith.constant 0 : i32
    %sign3A_1 = arith.cmpi sgt, %get3A_0, %sign3A : i32
    %sign3A_2 = arith.extui %sign3A_1 : i1 to i32
    %sign3A_3 = arith.constant 0 : i32
    %sign3A_4 = arith.cmpi slt, %get3A_0, %sign3A_3 : i32
    %sign3A_5 = arith.extui %sign3A_4 : i1 to i32
    %sign3A_6 = arith.subi %sign3A_2, %sign3A_5 : i32
    %sign3A_7 = arith.constant 0 : i32
    %sign3A_8 = arith.cmpi sgt, %jit3A, %sign3A_7 : i32
    %sign3A_9 = arith.extui %sign3A_8 : i1 to i32
    %sign3A_10 = arith.constant 0 : i32
    %sign3A_11 = arith.cmpi slt, %jit3A, %sign3A_10 : i32
    %sign3A_12 = arith.extui %sign3A_11 : i1 to i32
    %sign3A_13 = arith.subi %sign3A_9, %sign3A_12 : i32
    %ne3A = arith.cmpi ne, %sign3A_6, %sign3A_13 : i32
    %rem3A = arith.remsi %get3A_0, %jit3A : i32
    %ne3A_14 = arith.constant 0 : i32
    %ne3A_15 = arith.cmpi ne, %rem3A, %ne3A_14 : i32
    %and3A = arith.andi %ne3A, %ne3A_15 : i1
    %sub3A = arith.constant 1 : i32
    %sub3A_16 = arith.subi %div3A, %sub3A : i32
    %select_n3A = arith.select %and3A, %sub3A_16, %div3A : i32
    %add3A = arith.constant 2 : i32
    %add3A_17 = arith.addi %select_n3A, %add3A : i32
    %c0_i32 = arith.constant 0 : i32
    %c0_i32_18 = arith.constant 0 : i32
    return %add3A_17, %c0_i32 : i32, i32
  }
  func.func @transform_3(%arg0: i32, %arg1: memref<626xi32, #tpu.memory_space<smem>>) -> (i32, i32) {
    %get3A = arith.index_cast %arg0 : i32 to index
    %get3A_0 = memref.load %arg1[%get3A] : memref<626xi32, #tpu.memory_space<smem>>
    %jit3A = arith.constant 160 : i32
    %div3A = arith.divsi %get3A_0, %jit3A : i32
    %sign3A = arith.constant 0 : i32
    %sign3A_1 = arith.cmpi sgt, %get3A_0, %sign3A : i32
    %sign3A_2 = arith.extui %sign3A_1 : i1 to i32
    %sign3A_3 = arith.constant 0 : i32
    %sign3A_4 = arith.cmpi slt, %get3A_0, %sign3A_3 : i32
    %sign3A_5 = arith.extui %sign3A_4 : i1 to i32
    %sign3A_6 = arith.subi %sign3A_2, %sign3A_5 : i32
    %sign3A_7 = arith.constant 0 : i32
    %sign3A_8 = arith.cmpi sgt, %jit3A, %sign3A_7 : i32
    %sign3A_9 = arith.extui %sign3A_8 : i1 to i32
    %sign3A_10 = arith.constant 0 : i32
    %sign3A_11 = arith.cmpi slt, %jit3A, %sign3A_10 : i32
    %sign3A_12 = arith.extui %sign3A_11 : i1 to i32
    %sign3A_13 = arith.subi %sign3A_9, %sign3A_12 : i32
    %ne3A = arith.cmpi ne, %sign3A_6, %sign3A_13 : i32
    %rem3A = arith.remsi %get3A_0, %jit3A : i32
    %ne3A_14 = arith.constant 0 : i32
    %ne3A_15 = arith.cmpi ne, %rem3A, %ne3A_14 : i32
    %and3A = arith.andi %ne3A, %ne3A_15 : i1
    %sub3A = arith.constant 1 : i32
    %sub3A_16 = arith.subi %div3A, %sub3A : i32
    %select_n3A = arith.select %and3A, %sub3A_16, %div3A : i32
    %add3A = arith.constant 0 : i32
    %add3A_17 = arith.addi %select_n3A, %add3A : i32
    %c0_i32 = arith.constant 0 : i32
    %c0_i32_18 = arith.constant 0 : i32
    return %add3A_17, %c0_i32 : i32, i32
  }
  func.func @transform_4(%arg0: i32, %arg1: memref<626xi32, #tpu.memory_space<smem>>) -> (i32, i32) {
    %get3A = arith.index_cast %arg0 : i32 to index
    %get3A_0 = memref.load %arg1[%get3A] : memref<626xi32, #tpu.memory_space<smem>>
    %jit3A = arith.constant 160 : i32
    %div3A = arith.divsi %get3A_0, %jit3A : i32
    %sign3A = arith.constant 0 : i32
    %sign3A_1 = arith.cmpi sgt, %get3A_0, %sign3A : i32
    %sign3A_2 = arith.extui %sign3A_1 : i1 to i32
    %sign3A_3 = arith.constant 0 : i32
    %sign3A_4 = arith.cmpi slt, %get3A_0, %sign3A_3 : i32
    %sign3A_5 = arith.extui %sign3A_4 : i1 to i32
    %sign3A_6 = arith.subi %sign3A_2, %sign3A_5 : i32
    %sign3A_7 = arith.constant 0 : i32
    %sign3A_8 = arith.cmpi sgt, %jit3A, %sign3A_7 : i32
    %sign3A_9 = arith.extui %sign3A_8 : i1 to i32
    %sign3A_10 = arith.constant 0 : i32
    %sign3A_11 = arith.cmpi slt, %jit3A, %sign3A_10 : i32
    %sign3A_12 = arith.extui %sign3A_11 : i1 to i32
    %sign3A_13 = arith.subi %sign3A_9, %sign3A_12 : i32
    %ne3A = arith.cmpi ne, %sign3A_6, %sign3A_13 : i32
    %rem3A = arith.remsi %get3A_0, %jit3A : i32
    %ne3A_14 = arith.constant 0 : i32
    %ne3A_15 = arith.cmpi ne, %rem3A, %ne3A_14 : i32
    %and3A = arith.andi %ne3A, %ne3A_15 : i1
    %sub3A = arith.constant 1 : i32
    %sub3A_16 = arith.subi %div3A, %sub3A : i32
    %select_n3A = arith.select %and3A, %sub3A_16, %div3A : i32
    %add3A = arith.constant 1 : i32
    %add3A_17 = arith.addi %select_n3A, %add3A : i32
    %c0_i32 = arith.constant 0 : i32
    %c0_i32_18 = arith.constant 0 : i32
    return %add3A_17, %c0_i32 : i32, i32
  }
  func.func @transform_5(%arg0: i32, %arg1: memref<626xi32, #tpu.memory_space<smem>>) -> (i32, i32) {
    %get3A = arith.index_cast %arg0 : i32 to index
    %get3A_0 = memref.load %arg1[%get3A] : memref<626xi32, #tpu.memory_space<smem>>
    %jit3A = arith.constant 160 : i32
    %div3A = arith.divsi %get3A_0, %jit3A : i32
    %sign3A = arith.constant 0 : i32
    %sign3A_1 = arith.cmpi sgt, %get3A_0, %sign3A : i32
    %sign3A_2 = arith.extui %sign3A_1 : i1 to i32
    %sign3A_3 = arith.constant 0 : i32
    %sign3A_4 = arith.cmpi slt, %get3A_0, %sign3A_3 : i32
    %sign3A_5 = arith.extui %sign3A_4 : i1 to i32
    %sign3A_6 = arith.subi %sign3A_2, %sign3A_5 : i32
    %sign3A_7 = arith.constant 0 : i32
    %sign3A_8 = arith.cmpi sgt, %jit3A, %sign3A_7 : i32
    %sign3A_9 = arith.extui %sign3A_8 : i1 to i32
    %sign3A_10 = arith.constant 0 : i32
    %sign3A_11 = arith.cmpi slt, %jit3A, %sign3A_10 : i32
    %sign3A_12 = arith.extui %sign3A_11 : i1 to i32
    %sign3A_13 = arith.subi %sign3A_9, %sign3A_12 : i32
    %ne3A = arith.cmpi ne, %sign3A_6, %sign3A_13 : i32
    %rem3A = arith.remsi %get3A_0, %jit3A : i32
    %ne3A_14 = arith.constant 0 : i32
    %ne3A_15 = arith.cmpi ne, %rem3A, %ne3A_14 : i32
    %and3A = arith.andi %ne3A, %ne3A_15 : i1
    %sub3A = arith.constant 1 : i32
    %sub3A_16 = arith.subi %div3A, %sub3A : i32
    %select_n3A = arith.select %and3A, %sub3A_16, %div3A : i32
    %add3A = arith.constant 2 : i32
    %add3A_17 = arith.addi %select_n3A, %add3A : i32
    %c0_i32 = arith.constant 0 : i32
    %c0_i32_18 = arith.constant 0 : i32
    return %add3A_17, %c0_i32 : i32, i32
  }
  func.func @transform_8(%arg0: i32, %arg1: memref<626xi32, #tpu.memory_space<smem>>) -> (i32, i32) {
    %c0_i32 = arith.constant 0 : i32
    %c0_i32_0 = arith.constant 0 : i32
    return %arg0, %c0_i32 : i32, i32
  }
  func.func @transform_9(%arg0: i32, %arg1: memref<626xi32, #tpu.memory_space<smem>>) -> (i32, i32, i32) {
    %c0_i32 = arith.constant 0 : i32
    %c0_i32_0 = arith.constant 0 : i32
    %c0_i32_1 = arith.constant 0 : i32
    return %arg0, %c0_i32, %c0_i32_0 : i32, i32, i32
  }
  func.func @transform_10(%arg0: i32, %arg1: memref<626xi32, #tpu.memory_space<smem>>) -> (i32, i32) {
    %c0_i32 = arith.constant 0 : i32
    %c0_i32_0 = arith.constant 0 : i32
    %c0_i32_1 = arith.constant 0 : i32
    return %c0_i32, %c0_i32_0 : i32, i32
  }
  func.func @transform_11(%arg0: i32, %arg1: memref<626xi32, #tpu.memory_space<smem>>) -> (i32, i32) {
    %c0_i32 = arith.constant 0 : i32
    %c0_i32_0 = arith.constant 0 : i32
    %c0_i32_1 = arith.constant 0 : i32
    return %c0_i32, %c0_i32_0 : i32, i32
  }
  func.func @transform_12(%arg0: i32, %arg1: memref<626xi32, #tpu.memory_space<smem>>) -> (i32, i32) {
    %c0_i32 = arith.constant 0 : i32
    %c0_i32_0 = arith.constant 0 : i32
    %c0_i32_1 = arith.constant 0 : i32
    return %c0_i32, %c0_i32_0 : i32, i32
  }
  func.func @transform_13(%arg0: i32, %arg1: memref<626xi32, #tpu.memory_space<smem>>) -> (i32, i32) {
    %c0_i32 = arith.constant 0 : i32
    %c0_i32_0 = arith.constant 0 : i32
    %c0_i32_1 = arith.constant 0 : i32
    return %c0_i32, %c0_i32_0 : i32, i32
  }
  func.func @transform_14(%arg0: i32, %arg1: memref<626xi32, #tpu.memory_space<smem>>) -> (i32, i32) {
    %c0_i32 = arith.constant 0 : i32
    %c0_i32_0 = arith.constant 0 : i32
    %c0_i32_1 = arith.constant 0 : i32
    return %c0_i32, %c0_i32_0 : i32, i32
  }
  func.func @transform_15(%arg0: i32, %arg1: memref<626xi32, #tpu.memory_space<smem>>) -> (i32, i32) {
    %c0_i32 = arith.constant 0 : i32
    %c0_i32_0 = arith.constant 0 : i32
    %c0_i32_1 = arith.constant 0 : i32
    return %c0_i32, %c0_i32_0 : i32, i32
  }
  func.func @transform_16(%arg0: i32, %arg1: memref<626xi32, #tpu.memory_space<smem>>) -> (i32, i32) {
    %c0_i32 = arith.constant 0 : i32
    %c0_i32_0 = arith.constant 0 : i32
    return %arg0, %c0_i32 : i32, i32
  }
}

</mosaic_0001>

<sc_bundles>
// kernel: kernel.5.cloned.1.call-start
scs
__scs_entry_jumppad:
0x0: {  	(pc) =	sbr.rel $0x88, $3  }
0x1: {  	(tag) =	ssettag $0x0;
	lr =	simm.s32 $0x1  }
0x2: {  	[smem:$0x3F8D] =	sst lr;
	_ =	strace $0xD0000000  }
0x3: {  	_ = 	snop  }
0x4: {  	_ = 	snop  }
0x5: {  	_ = 	snop  }
0x6: {  	_ = 	snop  }
0x7: {  	_ = 	snop  }
__scs_overlays_trampoline_lowered:
0x8: {  	[smem:$0x3F9C] =	sst s0  }
0x9: {  	[smem:$0x3F9D] =	sst s1  }
0xa: {  	[smem:$0x3F9E] =	sst s2  }
0xb: {  	[smem:$0x3F9F] =	sst s3  }
0xc: {  	[smem:$0x3FA0] =	sst s4  }
0xd: {  	[smem:$0x3FA1] =	sst s5  }
0xe: {  	[smem:$0x3FA2] =	sst s6  }
0xf: {  	[smem:$0x3FA3] =	sst s7  }
0x10: {  	[smem:$0x3FA4] =	sst s8  }
0x11: {  	[smem:$0x3FA5] =	sst s9;
	s0 =	simm.s32 @!p0 $0x0  }
0x12: {  	s1 =	sld [smem:$0x3F8B];
	s0 =	simm.s32 @p0 $0x1  }
0x13: {  	[smem:$0x3FA6] =	sst s0;
	s0 =	simm.s32 @!p1 $0x0  }
0x14: {  	s2 =	sld [smem:$0x3F8A];
	s0 =	simm.s32 @p1 $0x1  }
0x15: {  	[smem:$0x3FA7] =	sst s0;
	s0 =	simm.s32 @!p2 $0x0  }
0x16: {  	s3 =	sld [smem:$0x3FDB];
	s0 =	simm.s32 @p2 $0x1  }
0x17: {  	s4 =	simm.s32 $0x1BF5;
	[smem:$0x3FA9] =	sst s0  }
0x18: {  	s0 =	sld [smem:$0x3F8C];
	_ =	swait.ge [sflag:s4], $0x0  }
0x19: {  	s7 =	sld [smem:$0x3F8D]  }
0x1a: {  	s8 =	sadd.s32 $0xFFFFE003, lr  }
0x1b: {  	s9 =	sadd.s32 $0xFFFFFEF7, lr;
	s5 =	simm.s32 $0xFFFFFFFF;
	p2 =	slt.u32 s8, $0xFFFFF086  }
0x1c: {  	p1 =	slt.u32 s9, $0xF7A;
	s5 =	simm.s32 @!p2 $0x0  }
0x1d: {  	s5 =	simm.s32 @p1 $0x1;
	p0 =	seq.s32 s7, s2  }
0x1e: {  	s7 =	smul.u32 @!p0 $0xF7A, s2;
	p2 =	seq.s32 @!p0 s5, $0x0  }
0x1f: {  	s9 =	smul.u32 $0xF7A, s1;
	s8 =	simm.s32 @!p0 $0x1BF5;
	p2 =	por !p2, p0  }
0x20: {  	[sflag:s8] =	ssyncset.s32 @!p0 $0xFFFFF086;
	s6 =	sadd.s32 @!p0 s3, s7;
	s7 =	simm.s32 @!p0 $0x108  }
0x21: {  	s3 =	sadd.s32 s3, s9;
	s6 =	sadd.s32 @!p0 $0x88, s6;
	s7 =	simm.s32 @p2 $0x1082  }
0x22: {  	[simem:s7], [sflag:s8] =	dma.local @!p0 [hbm:s6], $0xF7A  }
0x23: {  	s9 =	sor.u32 $0xD0000000, s2;
	s6 =	simm.s32 $0x108;
	_ =	swait.ge @!p0 [sflag:s8], $0x0  }
0x24: {  	s3 =	sadd.s32 $0x88, s3;
	s6 =	simm.s32 @!p1 $0x1082;
	[sflag:s4] =	ssyncset.s32 $0xFFFFF086  }
0x25: {  	[simem:s6], [sflag:s4] =	dma.local [hbm:s3], $0xF7A  }
0x26: {  	[smem:$0x3F8D] =	sst s1;
	(tag) =	ssettag s2;
	_ =	strace s9  }
0x27: {  	s1 =	sld [smem:$0x3F9D]  }
0x28: {  	s2 =	sld [smem:$0x3F9E]  }
0x29: {  	s4 =	sld [smem:$0x3FA0]  }
0x2a: {  	p0 =	seq.s32 s5, $0x0;
	s5 =	sld [smem:$0x3FA1]  }
0x2b: {  	s6 =	sld [smem:$0x3FA2]  }
0x2c: {  	s7 =	sld [smem:$0x3FA3]  }
0x2d: {  	s3 =	simm.s32 $0x108;
	s8 =	sld [smem:$0x3FA4]  }
0x2e: {  	s3 =	simm.s32 @!p0 $0x1082;
	s9 =	sld [smem:$0x3FA5]  }
0x2f: {  	lr =	sadd.s32 s0, s3;
	s0 =	sld [smem:$0x3F9C]  }
0x30: {  	s3 =	sld [smem:$0x3F9F]  }
0x31: {  	[smem:$0x3FA8] =	sst s10  }
0x32: {  	s10 =	sld [smem:$0x3FA6];
	_ =	sdelay $0x3  }
0x33: {  	p0 =	seq.s32 s10, $0x1;
	s10 =	sld [smem:$0x3FA8];
	_ =	sdelay $0x3  }
0x34: {  	[smem:$0x3FA8] =	sst s10  }
0x35: {  	s10 =	sld [smem:$0x3FA7];
	_ =	sdelay $0x3  }
0x36: {  	p1 =	seq.s32 s10, $0x1;
	s10 =	sld [smem:$0x3FA8];
	_ =	sdelay $0x3  }
0x37: {  	[smem:$0x3FA8] =	sst s10  }
0x38: {  	s10 =	sld [smem:$0x3FA9]  }
0x39: {  	_ = 	snop;
	(pc) =	sbr.ind lr, $3  }
0x3a: {  	_ = 	snop  }
0x3b: {  	_ = 	snop  }
0x3c: {  	p2 =	seq.s32 s10, $0x1;
	s10 =	sld [smem:$0x3FA8]  }
0x3d: {  	_ =	shalt  }
0x3e: {  	_ =	shalt  }
0x3f: {  	_ =	shalt  }
0x40: {  	_ =	shalt  }
0x41: {  	_ =	shalt  }
0x42: {  	_ =	shalt  }
0x43: {  	_ =	shalt  }
0x44: {  	_ =	shalt  }
0x45: {  	_ =	shalt  }
0x46: {  	_ =	shalt  }
0x47: {  	_ =	shalt  }
0x48: {  	_ =	shalt  }
0x49: {  	_ =	shalt  }
0x4a: {  	_ =	shalt  }
0x4b: {  	_ =	shalt  }
0x4c: {  	_ =	shalt  }
0x4d: {  	_ =	shalt  }
0x4e: {  	_ =	shalt  }
0x4f: {  	_ =	shalt  }
0x50: {  	_ =	shalt  }
0x51: {  	_ =	shalt  }
0x52: {  	_ =	shalt  }
0x53: {  	_ =	shalt  }
0x54: {  	_ =	shalt  }
0x55: {  	_ =	shalt  }
0x56: {  	_ =	shalt  }
0x57: {  	_ =	shalt  }
0x58: {  	_ =	shalt  }
0x59: {  	_ =	shalt  }
0x5a: {  	_ =	shalt  }
0x5b: {  	_ =	shalt  }
0x5c: {  	_ =	shalt  }
0x5d: {  	_ =	shalt  }
0x5e: {  	_ =	shalt  }
0x5f: {  	_ =	shalt  }
0x60: {  	_ =	shalt  }
0x61: {  	_ =	shalt  }
0x62: {  	_ =	shalt  }
0x63: {  	_ =	shalt  }
0x64: {  	_ =	shalt  }
0x65: {  	_ =	shalt  }
0x66: {  	_ =	shalt  }
0x67: {  	_ =	shalt  }
0x68: {  	_ =	shalt  }
0x69: {  	_ =	shalt  }
0x6a: {  	_ =	shalt  }
0x6b: {  	_ =	shalt  }
0x6c: {  	_ =	shalt  }
0x6d: {  	_ =	shalt  }
0x6e: {  	_ =	shalt  }
0x6f: {  	_ =	shalt  }
0x70: {  	_ =	shalt  }
0x71: {  	_ =	shalt  }
0x72: {  	_ =	shalt  }
0x73: {  	_ =	shalt  }
0x74: {  	_ =	shalt  }
0x75: {  	_ =	shalt  }
0x76: {  	_ =	shalt  }
0x77: {  	_ =	shalt  }
0x78: {  	_ =	shalt  }
0x79: {  	_ =	shalt  }
0x7a: {  	_ =	shalt  }
0x7b: {  	_ =	shalt  }
0x7c: {  	_ =	shalt  }
0x7d: {  	_ =	shalt  }
0x7e: {  	_ =	shalt  }
0x7f: {  	_ =	shalt  }
0x80: {  	_ =	shalt  }
0x81: {  	_ =	shalt  }
0x82: {  	_ =	shalt  }
0x83: {  	_ =	shalt  }
0x84: {  	_ =	shalt  }
0x85: {  	_ =	shalt  }
0x86: {  	_ =	shalt  }
0x87: {  	_ =	shalt  }
.Lfunc_end0:
.L_simem_size_0:
called_computation.1_lowered:
.L_overlay_start_0:
0x88: {  	s2 =	sld [smem:$0x3FD9]  }
0x89: {  	s3 =	sld [smem:$0x3FFE];
	_ =	sdelay $0x1  }
0x8a: {  	s1 =	srdreg.scid  }
0x8b: {  	s0 =	sand.u32 $0x1, s1  }
0x8c: {  	s17 =	sshll.u32 s0, $0xA;
	s2 =	sadd.s32 s3, s2  }
0x8d: {  	s2 =	sadd.s32 s2, s17  }
0x8e: {  	[smem:$0x3FB4] =	sst s2  }
0x8f: {  	_ = 	snop  }
0x90: {  	s18 =	sld [smem:$0x3FD0];
	(tm) =	ssettm $0x1  }
0x91: {  	s19 =	sld [smem:$0x3FFB];
	_ =	sdelay $0x3  }
0x92: {  	_ =	strace s19  }
0x93: {  	s2 =	sld [smem:$0x3FFC];
	_ =	sdelay $0x3  }
0x94: {  	_ =	strace s2  }
0x95: {  	s2 =	sld [smem:$0x3FFD];
	_ =	sdelay $0x3  }
0x96: {  	_ =	strace s2  }
0x97: {  	_ =	strace $0x8FFFFFFF  }
0x98: {  	s20 =	sld [smem:$0x3FDB];
	_ =	sdelay $0x1  }
0x99: {  	s4 =	simm.s32 $_scs_section_size  }
0x9a: {  	s5 =	simm.s32 $_size__tile_overlayer_lowered;
	s6 =	simm.s32 $_tile_overlayer_lowered  }
0x9b: {  	s7 =	simm.s32 $0x1BFF;
	s21 =	sshll.u32 s6, $0x1;
	s4 =	sadd.s32 s4, s20  }
0x9c: {  	s22 =	simm.s32 $0x0;
	s5 =	sshll.u32 s5, $0x1;
	s6 =	sadd.s32 s21, s4  }
0x9d: {  	[timem:s22], [sflag:s7] =	dma.local [hbm:s6], s5  }
0x9e: {  	_ =	swait.ge [sflag:s7], s5  }
0x9f: {  	s5 =	ssub.s32 $0x0, s5;
	[sflag:s7] =	ssyncset.done $0x0  }
0xa0: {  	[sflag:s7] =	ssyncadd.s32 s5;
	_ =	sdelay $0x1  }
0xa1: {  	s23 =	simm.s32 $0x1B8B  }
0xa2: {  	_ =	swait.ge [sflag:s23], $0x1  }
0xa3: {  	[sflag:s23] =	ssyncset.done $0x0  }
0xa4: {  	[sflag:s23] =	ssyncadd.s32 $0xFFFFFFFF  }
0xa5: {  	s5 =	sld [smem:$0x0]  }
0xa6: {  	s6 =	sand.u32 $0xFFFFFFFE, s1  }
0xa7: {  	p0 =	sne.s32 s1, s6  }
0xa8: {  	s6 =	sshll.u32 @p0 s6, $0xE  }
0xa9: {  	s6 =	sadd.s32 @p0 $0x11B8D, s6;
	s7 =	sshll.u32 @p0 s5, $0x11  }
0xaa: {  	s6 =	sor.u32 @p0 s7, s6  }
0xab: {  	[sflag:s6] =	ssyncadd.remote.s32 @p0 $0x1;
	_ =	sdelay $0x1  }
0xac: {  	s6 =	simm.s32 @p0 $0x1B8D  }
0xad: {  	_ =	swait.eq @p0 [sflag:s6], $0x1  }
0xae: {  	[sflag:s6] =	ssyncadd.s32 @p0 $0xFFFFFFFF  }
0xaf: {  	s7 =	sshll.u32 @!p0 s1, $0xE  }
0xb0: {  	s7 =	sor.u32 @!p0 $0x4000, s7;
	s6 =	simm.s32 @!p0 $0x1B8D  }
0xb1: {  	s5 =	sshll.u32 @!p0 s5, $0x11;
	s7 =	sadd.s32 @!p0 $0x11B8D, s7;
	_ =	swait.eq @!p0 [sflag:s6], $0x1  }
0xb2: {  	s5 =	sor.u32 @!p0 s5, s7;
	[sflag:s6] =	ssyncadd.s32 @!p0 $0xFFFFFFFF  }
0xb3: {  	s25 =	simm.s32 $0x1B8E;
	s24 =	sld [smem:$0x3FFE];
	[sflag:s5] =	ssyncadd.remote.s32 @!p0 $0x1  }
0xb4: {  	s26 =	simm.s32 $execute0_lowered;
	[smem:$0x3FD2] =	sst s25  }
0xb5: {  	s6 =	sshll.u32 s26, $0x1;
	_ =	strace $0x80000049;
	[dreg:$0x1] =	wrdreg $0xFFFFFFFF  }
0xb6: {  	s28 =	simm.s32 $_size_execute0_lowered;
	s4 =	sadd.s32 s4, s6;
	[dreg:$0x0] =	wrdreg $0x0  }
0xb7: {  	s6 =	sshll.u32 s28, $0x1;
	[dreg:$0x2] =	wrdreg s4  }
0xb8: {  	[dreg:$0x3] =	wrdreg s6  }
0xb9: {  	[dreg:$0x4] =	wrdreg $0xC0  }
0xba: {  	_ =	task [dreg:s22], $0x5FFFF  }
0xbb: {  	[dreg:$0x1] =	wrdreg $0xFFFFFFFF  }
0xbc: {  	[dreg:$0x0] =	wrdreg $0x60  }
0xbd: {  	[dreg:$0x2] =	wrdreg s24  }
0xbe: {  	[dreg:$0x3] =	wrdreg s18  }
0xbf: {  	[dreg:$0x4] =	wrdreg $0xA  }
0xc0: {  	_ =	task.clear_ibuf [dreg:s22], $0x5FFFF;
	_ =	strace $0x90000049  }
0xc1: {  	s29 =	simm.s32 $0xA;
	_ =	strace $0x8000004B  }
0xc2: {  	_ =	swait.ge [sflag:s29], $0x1  }
0xc3: {  	[sflag:s29] =	ssyncadd.s32 $0xFFFFFFFF  }
0xc4: {  	_ =	strace $0x9000004B  }
0xc5: {  	_ =	sfence  }
0xc6: {  	s30 =	sld [smem:$0x0];
	_ =	sdelay $0x2  }
0xc7: {  	s31 =	sshll.u32 s1, $0xD;
	s1 =	sshrl.u32 s1, $0x2  }
0xc8: {  	s4 =	sand.u32 $0x4000, s31;
	s1 =	sadd.s32 s1, s30  }
0xc9: {  	s0 =	sor.u32 s4, s0;
	s1 =	sshll.u32 s1, $0x11  }
0xca: {  	s0 =	sor.u32 s1, s0  }
0xcb: {  	s0 =	sadd.s32 $0x8F2B, s0  }
0xcc: {  	[sflag:s0] =	ssyncadd.remote.s32 $0x1  }
0xcd: {  	_ =	sfence.sel $0xFFFF  }
0xce: {  	[dreg:$0x0] =	wrdreg $0xFFFFFFFF;
	(pc) =	sbr.abs _section_cstart, $3  }
0xcf: {  	[dreg:$0x1] =	wrdreg $0xFFFFFFFF  }
0xd0: {  	_ =	task.clear_ibuf [dreg:s22], $0x2FFFF;
	_ =	strace $0x9FFFFFFF  }
0xd1: {  	(tm) =	ssettm $0x7FFFFFFF  }
tec
execute0_lowered:
.L_overlay_start_1:
0x0: {  	(tag) =	ssettag $0x1  }
0x1: {  	s0 =	rddreg [dreg:$0x0]  }
0x2: {  	s1 =	srdreg.scid;
	s10 =	stileid.u32  }
0x3: {  	s4 =	rddreg [dreg:$0x1];
	s2 =	simm.s32 $0x0;
	s19 =	simm.s32 $0x1C00  }
0x4: {  	s18 =	simm.s32 $0x2400;
	s20 =	simm.s32 $0x2C00;
	s31 =	simm.s32 $0x3400  }
0x5: {  	s28 =	simm.s32 $0x5C00;
	s29 =	simm.s32 $0x6400;
	s30 =	simm.s32 $0x6C00  }
0x6: {  	s11 =	simm.s32 $0xBC00;
	s12 =	simm.s32 $0xC400;
	s13 =	simm.s32 $0x1  }
0x7: {  	s14 =	simm.s32 $0x2;
	s15 =	simm.s32 $0x3;
	s9 =	smul.u32 $0x50, s10  }
0x8: {  	s16 =	simm.s32 $0x4;
	s1 =	sand.u32 $0x1, s1;
	s23 =	smul.u32 $0x50000, s10  }
0x9: {  	s17 =	simm.s32 $0x0;
	s3 =	sshll.u32 s10, $0x1;
	s21 =	smul.u32 $0x28, s1  }
0xa: {  	s3 =	sor.u32 s1, s3;
	s6 =	ssub.s32 $0x2, s1;
	s1 =	smul.u32 $0x28000, s1  }
0xb: {  	[smem:$0x7FF] =	sst s2;
	s10 =	simm.s32 $0xB400;
	s5 =	smul.u32 $0x280, s3  }
0xc: {  	_ =	strace $0x8000004A;
	[dreg:$0x9] =	wrdreg s17;
	s7 =	smul.u32 $0x140000, s3  }
0xd: {  	s3 =	sadd.s32 $0xA800, s0;
	s8 =	sshrl.u32 s6, $0x1;
	s0 =	sadd.s32 $0x8AE00, s0  }
0xe: {  	s6 =	ssub.s32 s6, s8;
	s24 =	sadd.s32 s21, s9;
	s21 =	simm.s32 $0x9400  }
0xf: {  	s8 =	simm.s32 $0xAC00;
	s9 =	simm.s32 $0xCC00;
	s4 =	sadd.s32 s4, s5  }
0x10: {  	s22 =	sshrl.u32 s7, $0x3;
	s5 =	sadd.s32 s23, s0;
	s7 =	sshll.u32 s24, $0xC  }
0x11: {  	s26 =	smax.u32 s6, $0x1;
	s23 =	simm.s32 $0x4400;
	s24 =	simm.s32 $0x4C00  }
0x12: {  	s6 =	simm.s32 $0x9C00;
	[dreg:$0x5] =	wrdreg s4;
	s4 =	sadd.s32 s0, s22  }
0x13: {  	s1 =	sadd.s32 s1, s5;
	s0 =	sadd.s32 s7, s0;
	[dreg:$0x8] =	wrdreg s26  }
0x14: {  	s22 =	simm.s32 $0x3C00;
	s25 =	sadd.s32 $0x26000, s4;
	[dreg:$0x3] =	wrdreg s1  }
0x15: {  	s26 =	simm.s32 $0x5400;
	s4 =	sadd.s32 $0x27000, s4;
	[dreg:$0x6] =	wrdreg s25  }
0x16: {  	v2 =	vlaneseq.u32;
	s5 =	simm.s32 $0x8C00;
	s0 =	sadd.s32 $0x1000, s0;
	[dreg:$0x7] =	wrdreg s4  }
0x17: {  	vm0 =	vmmov $0xffff;
	v1 =	vshrl.u32 v2, $0x3;
	s7 =	simm.s32 $0xA400;
	s1 =	simm.s32 $0x7400;
	[dreg:$0x4] =	wrdreg s0  }
0x18: {  	v0 =	vand.u32 $0x7, v2;
	v2 =	vor.u32 $0x8, v2;
	v1 =	vmul.u32 $0x8, v1;
	s25 =	simm.s32 $0x1400;
	s0 =	simm.s32 $0x7C00;
	s4 =	simm.s32 $0x8400  }
.LBB2_1:
0x19: {  	s17 =	rddreg [dreg:$0x5]  }
0x1a: {  	[tilespmem:s2], [sflag:$0x5] =	stream.linear.gather [hbm4b:s17+s2], $0x1400, $0x38;
	[tilespmem:$0x11400] =	vst v63  }
0x1b: {  	s17 =	simm.s32 $0x5  }
0x1c: {  	_ =	swait.ge [sflag:s17], $0x1400  }
0x1d: {  	[sflag:s17] =	ssyncset.done $0x0  }
0x1e: {  	[sflag:s17] =	ssyncadd.s32 $0xFFFFEC00  }
0x1f: {  	v3 =	vld [tilespmem:$0x0];
	_ =	sdelay $0x4  }
0x20: {  	v4 =	vshll.u32 v3, $0x1  }
0x21: {  	v3 =	vand.u32 $0x7, v3;
	v4 =	vand.u32 $0xFFFFFFF0, v4  }
0x22: {  	v3 =	vor.u32 v3, v4  }
0x23: {  	v4 =	vperm.xlane v3, v0;
	_ =	sdelay $0x1  }
0x24: {  	v3 =	vperm.xlane v3, v2;
	v4 =	vadd.s32 v1, v4;
	_ =	sdelay $0x1  }
0x25: {  	v3 =	vadd.s32 v1, v3;
	_ =	sdelay $0x2  }
0x26: {  	[tilespmem:s25], [sflag:$0x1] =	stream.indirect_vreg.gather [hbm4b:s3+s2], $0x80, v4, vm0, $0xb8;
	[tilespmem:$0x11400] =	vst v63  }
0x27: {  	_ = 	snop  }
0x28: {  	[tilespmem:s19], [sflag:$0x1] =	stream.indirect_vreg.gather [hbm4b:s3+s2], $0x80, v3, vm0, $0xb8;
	[tilespmem:$0x11400] =	vst v63  }
0x29: {  	v3 =	vld [tilespmem:$0x10];
	_ =	sdelay $0x4  }
0x2a: {  	v49 =	vshll.u32 v3, $0x1  }
0x2b: {  	v3 =	vand.u32 $0x7, v3;
	v4 =	vand.u32 $0xFFFFFFF0, v49  }
0x2c: {  	v3 =	vor.u32 v3, v4  }
0x2d: {  	v4 =	vperm.xlane v3, v0;
	_ =	sdelay $0x1  }
0x2e: {  	v3 =	vperm.xlane v3, v2;
	v4 =	vadd.s32 v1, v4;
	_ =	sdelay $0x1  }
0x2f: {  	v3 =	vadd.s32 v1, v3;
	_ =	sdelay $0x2  }
0x30: {  	[tilespmem:s18], [sflag:$0x1] =	stream.indirect_vreg.gather [hbm4b:s3+s2], $0x80, v4, vm0, $0xb8;
	[tilespmem:$0x11400] =	vst v63  }
0x31: {  	_ = 	snop  }
0x32: {  	[tilespmem:s20], [sflag:$0x1] =	stream.indirect_vreg.gather [hbm4b:s3+s2], $0x80, v3, vm0, $0xb8;
	[tilespmem:$0x11400] =	vst v63  }
0x33: {  	v3 =	vld [tilespmem:$0x20];
	_ =	sdelay $0x4  }
0x34: {  	v50 =	vshll.u32 v3, $0x1  }
0x35: {  	v3 =	vand.u32 $0x7, v3;
	v4 =	vand.u32 $0xFFFFFFF0, v50  }
0x36: {  	v3 =	vor.u32 v3, v4  }
0x37: {  	v4 =	vperm.xlane v3, v0;
	_ =	sdelay $0x1  }
0x38: {  	v3 =	vperm.xlane v3, v2;
	v4 =	vadd.s32 v1, v4;
	_ =	sdelay $0x1  }
0x39: {  	v3 =	vadd.s32 v1, v3;
	_ =	sdelay $0x2  }
0x3a: {  	[tilespmem:s31], [sflag:$0x1] =	stream.indirect_vreg.gather [hbm4b:s3+s2], $0x80, v4, vm0, $0xb8;
	[tilespmem:$0x11400] =	vst v63  }
0x3b: {  	_ = 	snop  }
0x3c: {  	[tilespmem:s22], [sflag:$0x1] =	stream.indirect_vreg.gather [hbm4b:s3+s2], $0x80, v3, vm0, $0xb8;
	[tilespmem:$0x11400] =	vst v63  }
0x3d: {  	v3 =	vld [tilespmem:$0x30];
	_ =	sdelay $0x4  }
0x3e: {  	v51 =	vshll.u32 v3, $0x1  }
0x3f: {  	v3 =	vand.u32 $0x7, v3;
	v4 =	vand.u32 $0xFFFFFFF0, v51  }
0x40: {  	v3 =	vor.u32 v3, v4  }
0x41: {  	v4 =	vperm.xlane v3, v0;
	_ =	sdelay $0x1  }
0x42: {  	v3 =	vperm.xlane v3, v2;
	v4 =	vadd.s32 v1, v4;
	_ =	sdelay $0x1  }
0x43: {  	v3 =	vadd.s32 v1, v3;
	_ =	sdelay $0x2  }
0x44: {  	[tilespmem:s23], [sflag:$0x1] =	stream.indirect_vreg.gather [hbm4b:s3+s2], $0x80, v4, vm0, $0xb8;
	[tilespmem:$0x11400] =	vst v63  }
0x45: {  	_ = 	snop  }
0x46: {  	[tilespmem:s24], [sflag:$0x1] =	stream.indirect_vreg.gather [hbm4b:s3+s2], $0x80, v3, vm0, $0xb8;
	[tilespmem:$0x11400] =	vst v63  }
0x47: {  	v3 =	vld [tilespmem:$0x40];
	_ =	sdelay $0x4  }
0x48: {  	v52 =	vshll.u32 v3, $0x1  }
0x49: {  	v3 =	vand.u32 $0x7, v3;
	v4 =	vand.u32 $0xFFFFFFF0, v52  }
0x4a: {  	v3 =	vor.u32 v3, v4  }
0x4b: {  	v4 =	vperm.xlane v3, v0;
	_ =	sdelay $0x1  }
0x4c: {  	v3 =	vperm.xlane v3, v2;
	v4 =	vadd.s32 v1, v4;
	_ =	sdelay $0x1  }
0x4d: {  	v3 =	vadd.s32 v1, v3;
	_ =	sdelay $0x2  }
0x4e: {  	[tilespmem:s26], [sflag:$0x1] =	stream.indirect_vreg.gather [hbm4b:s3+s2], $0x80, v4, vm0, $0xb8;
	[tilespmem:$0x11400] =	vst v63  }
0x4f: {  	_ = 	snop  }
0x50: {  	[tilespmem:s28], [sflag:$0x1] =	stream.indirect_vreg.gather [hbm4b:s3+s2], $0x80, v3, vm0, $0xb8;
	[tilespmem:$0x11400] =	vst v63  }
0x51: {  	v3 =	vld [tilespmem:$0x50];
	_ =	sdelay $0x4  }
0x52: {  	v53 =	vshll.u32 v3, $0x1  }
0x53: {  	v3 =	vand.u32 $0x7, v3;
	v4 =	vand.u32 $0xFFFFFFF0, v53  }
0x54: {  	v3 =	vor.u32 v3, v4  }
0x55: {  	v4 =	vperm.xlane v3, v0;
	_ =	sdelay $0x1  }
0x56: {  	v3 =	vperm.xlane v3, v2;
	v4 =	vadd.s32 v1, v4;
	_ =	sdelay $0x1  }
0x57: {  	v3 =	vadd.s32 v1, v3;
	_ =	sdelay $0x2  }
0x58: {  	[tilespmem:s29], [sflag:$0x1] =	stream.indirect_vreg.gather [hbm4b:s3+s2], $0x80, v4, vm0, $0xb8;
	[tilespmem:$0x11400] =	vst v63  }
0x59: {  	_ = 	snop  }
0x5a: {  	[tilespmem:s30], [sflag:$0x1] =	stream.indirect_vreg.gather [hbm4b:s3+s2], $0x80, v3, vm0, $0xb8;
	[tilespmem:$0x11400] =	vst v63  }
0x5b: {  	v3 =	vld [tilespmem:$0x60];
	_ =	sdelay $0x4  }
0x5c: {  	v54 =	vshll.u32 v3, $0x1  }
0x5d: {  	v3 =	vand.u32 $0x7, v3;
	v4 =	vand.u32 $0xFFFFFFF0, v54  }
0x5e: {  	v3 =	vor.u32 v3, v4  }
0x5f: {  	v4 =	vperm.xlane v3, v0;
	_ =	sdelay $0x1  }
0x60: {  	v3 =	vperm.xlane v3, v2;
	v4 =	vadd.s32 v1, v4;
	_ =	sdelay $0x1  }
0x61: {  	v3 =	vadd.s32 v1, v3;
	_ =	sdelay $0x2  }
0x62: {  	[tilespmem:s1], [sflag:$0x1] =	stream.indirect_vreg.gather [hbm4b:s3+s2], $0x80, v4, vm0, $0xb8;
	[tilespmem:$0x11400] =	vst v63  }
0x63: {  	_ = 	snop  }
0x64: {  	[tilespmem:s0], [sflag:$0x1] =	stream.indirect_vreg.gather [hbm4b:s3+s2], $0x80, v3, vm0, $0xb8;
	[tilespmem:$0x11400] =	vst v63  }
0x65: {  	v3 =	vld [tilespmem:$0x70];
	_ =	sdelay $0x4  }
0x66: {  	v55 =	vshll.u32 v3, $0x1  }
0x67: {  	v3 =	vand.u32 $0x7, v3;
	v4 =	vand.u32 $0xFFFFFFF0, v55  }
0x68: {  	v3 =	vor.u32 v3, v4  }
0x69: {  	v4 =	vperm.xlane v3, v0;
	_ =	sdelay $0x1  }
0x6a: {  	v3 =	vperm.xlane v3, v2;
	v4 =	vadd.s32 v1, v4;
	_ =	sdelay $0x1  }
0x6b: {  	v3 =	vadd.s32 v1, v3;
	_ =	sdelay $0x2  }
0x6c: {  	[tilespmem:s4], [sflag:$0x1] =	stream.indirect_vreg.gather [hbm4b:s3+s2], $0x80, v4, vm0, $0xb8;
	[tilespmem:$0x11400] =	vst v63  }
0x6d: {  	_ = 	snop  }
0x6e: {  	[tilespmem:s5], [sflag:$0x1] =	stream.indirect_vreg.gather [hbm4b:s3+s2], $0x80, v3, vm0, $0xb8;
	[tilespmem:$0x11400] =	vst v63  }
0x6f: {  	v3 =	vld [tilespmem:$0x80];
	_ =	sdelay $0x4  }
0x70: {  	v56 =	vshll.u32 v3, $0x1  }
0x71: {  	v3 =	vand.u32 $0x7, v3;
	v4 =	vand.u32 $0xFFFFFFF0, v56  }
0x72: {  	v3 =	vor.u32 v3, v4  }
0x73: {  	v4 =	vperm.xlane v3, v0;
	_ =	sdelay $0x1  }
0x74: {  	v3 =	vperm.xlane v3, v2;
	v4 =	vadd.s32 v1, v4;
	_ =	sdelay $0x1  }
0x75: {  	v3 =	vadd.s32 v1, v3;
	_ =	sdelay $0x2  }
0x76: {  	[tilespmem:s21], [sflag:$0x2] =	stream.indirect_vreg.gather [hbm4b:s3+s2], $0x80, v4, vm0, $0xb8;
	[tilespmem:$0x11400] =	vst v63  }
0x77: {  	_ = 	snop  }
0x78: {  	[tilespmem:s6], [sflag:$0x2] =	stream.indirect_vreg.gather [hbm4b:s3+s2], $0x80, v3, vm0, $0xb8;
	[tilespmem:$0x11400] =	vst v63  }
0x79: {  	v3 =	vld [tilespmem:$0x90];
	_ =	sdelay $0x4  }
0x7a: {  	v57 =	vshll.u32 v3, $0x1  }
0x7b: {  	v3 =	vand.u32 $0x7, v3;
	v4 =	vand.u32 $0xFFFFFFF0, v57  }
0x7c: {  	v3 =	vor.u32 v3, v4  }
0x7d: {  	v4 =	vperm.xlane v3, v0;
	_ =	sdelay $0x1  }
0x7e: {  	v3 =	vperm.xlane v3, v2;
	v4 =	vadd.s32 v1, v4;
	_ =	sdelay $0x1  }
0x7f: {  	v3 =	vadd.s32 v1, v3;
	_ =	sdelay $0x2  }
0x80: {  	[tilespmem:s7], [sflag:$0x2] =	stream.indirect_vreg.gather [hbm4b:s3+s2], $0x80, v4, vm0, $0xb8;
	[tilespmem:$0x11400] =	vst v63  }
0x81: {  	_ = 	snop  }
0x82: {  	[tilespmem:s8], [sflag:$0x2] =	stream.indirect_vreg.gather [hbm4b:s3+s2], $0x80, v3, vm0, $0xb8;
	[tilespmem:$0x11400] =	vst v63  }
0x83: {  	v3 =	vld [tilespmem:$0xA0];
	_ =	sdelay $0x4  }
0x84: {  	v58 =	vshll.u32 v3, $0x1  }
0x85: {  	v3 =	vand.u32 $0x7, v3;
	v4 =	vand.u32 $0xFFFFFFF0, v58  }
0x86: {  	v3 =	vor.u32 v3, v4  }
0x87: {  	v4 =	vperm.xlane v3, v0;
	_ =	sdelay $0x1  }
0x88: {  	v3 =	vperm.xlane v3, v2;
	v4 =	vadd.s32 v1, v4;
	_ =	sdelay $0x1  }
0x89: {  	v3 =	vadd.s32 v1, v3;
	_ =	sdelay $0x2  }
0x8a: {  	[tilespmem:s10], [sflag:$0x2] =	stream.indirect_vreg.gather [hbm4b:s3+s2], $0x80, v4, vm0, $0xb8;
	[tilespmem:$0x11400] =	vst v63  }
0x8b: {  	_ = 	snop  }
0x8c: {  	[tilespmem:s11], [sflag:$0x2] =	stream.indirect_vreg.gather [hbm4b:s3+s2], $0x80, v3, vm0, $0xb8;
	[tilespmem:$0x11400] =	vst v63  }
0x8d: {  	v3 =	vld [tilespmem:$0xB0];
	_ =	sdelay $0x4  }
0x8e: {  	v59 =	vshll.u32 v3, $0x1  }
0x8f: {  	v3 =	vand.u32 $0x7, v3;
	v4 =	vand.u32 $0xFFFFFFF0, v59  }
0x90: {  	v3 =	vor.u32 v3, v4  }
0x91: {  	v4 =	vperm.xlane v3, v0;
	_ =	sdelay $0x1  }
0x92: {  	v3 =	vperm.xlane v3, v2;
	v4 =	vadd.s32 v1, v4;
	_ =	sdelay $0x1  }
0x93: {  	v3 =	vadd.s32 v1, v3;
	_ =	sdelay $0x2  }
0x94: {  	[tilespmem:s12], [sflag:$0x2] =	stream.indirect_vreg.gather [hbm4b:s3+s2], $0x80, v4, vm0, $0xb8;
	[tilespmem:$0x11400] =	vst v63  }
0x95: {  	_ = 	snop  }
0x96: {  	[tilespmem:s9], [sflag:$0x2] =	stream.indirect_vreg.gather [hbm4b:s3+s2], $0x80, v3, vm0, $0xb8;
	[tilespmem:$0x11400] =	vst v63  }
0x97: {  	v3 =	vld [tilespmem:$0xC0];
	_ =	sdelay $0x4  }
0x98: {  	v60 =	vshll.u32 v3, $0x1  }
0x99: {  	v3 =	vand.u32 $0x7, v3;
	v4 =	vand.u32 $0xFFFFFFF0, v60  }
0x9a: {  	v3 =	vor.u32 v3, v4  }
0x9b: {  	v4 =	vperm.xlane v3, v0;
	_ =	sdelay $0x1  }
0x9c: {  	v3 =	vperm.xlane v3, v2;
	v4 =	vadd.s32 v1, v4;
	_ =	sdelay $0x1  }
0x9d: {  	v3 =	vadd.s32 v1, v3;
	_ =	sdelay $0x1  }
0x9e: {  	s21 =	simm.s32 $0xD400  }
0x9f: {  	[tilespmem:s21], [sflag:$0x2] =	stream.indirect_vreg.gather [hbm4b:s3+s2], $0x80, v4, vm0, $0xb8;
	[tilespmem:$0x11400] =	vst v63  }
0xa0: {  	s22 =	simm.s32 $0xDC00  }
0xa1: {  	[tilespmem:s22], [sflag:$0x2] =	stream.indirect_vreg.gather [hbm4b:s3+s2], $0x80, v3, vm0, $0xb8;
	[tilespmem:$0x11400] =	vst v63  }
0xa2: {  	v3 =	vld [tilespmem:$0xD0];
	_ =	sdelay $0x4  }
0xa3: {  	v61 =	vshll.u32 v3, $0x1  }
0xa4: {  	v3 =	vand.u32 $0x7, v3;
	v4 =	vand.u32 $0xFFFFFFF0, v61  }
0xa5: {  	v3 =	vor.u32 v3, v4  }
0xa6: {  	v4 =	vperm.xlane v3, v0;
	_ =	sdelay $0x1  }
0xa7: {  	v3 =	vperm.xlane v3, v2;
	v4 =	vadd.s32 v1, v4;
	_ =	sdelay $0x1  }
0xa8: {  	v3 =	vadd.s32 v1, v3;
	_ =	sdelay $0x1  }
0xa9: {  	s23 =	simm.s32 $0xE400  }
0xaa: {  	[tilespmem:s23], [sflag:$0x2] =	stream.indirect_vreg.gather [hbm4b:s3+s2], $0x80, v4, vm0, $0xb8;
	[tilespmem:$0x11400] =	vst v63  }
0xab: {  	s24 =	simm.s32 $0xEC00  }
0xac: {  	[tilespmem:s24], [sflag:$0x2] =	stream.indirect_vreg.gather [hbm4b:s3+s2], $0x80, v3, vm0, $0xb8;
	[tilespmem:$0x11400] =	vst v63  }
0xad: {  	v3 =	vld [tilespmem:$0xE0];
	_ =	sdelay $0x4  }
0xae: {  	v62 =	vshll.u32 v3, $0x1  }
0xaf: {  	v3 =	vand.u32 $0x7, v3;
	v4 =	vand.u32 $0xFFFFFFF0, v62  }
0xb0: {  	v3 =	vor.u32 v3, v4  }
0xb1: {  	v4 =	vperm.xlane v3, v0;
	_ =	sdelay $0x1  }
0xb2: {  	v3 =	vperm.xlane v3, v2;
	v4 =	vadd.s32 v1, v4;
	_ =	sdelay $0x1  }
0xb3: {  	v3 =	vadd.s32 v1, v3;
	_ =	sdelay $0x1  }
0xb4: {  	s25 =	simm.s32 $0xF400  }
0xb5: {  	[tilespmem:s25], [sflag:$0x2] =	stream.indirect_vreg.gather [hbm4b:s3+s2], $0x80, v4, vm0, $0xb8;
	[tilespmem:$0x11400] =	vst v63  }
0xb6: {  	s26 =	simm.s32 $0xFC00  }
0xb7: {  	[tilespmem:s26], [sflag:$0x2] =	stream.indirect_vreg.gather [hbm4b:s3+s2], $0x80, v3, vm0, $0xb8;
	[tilespmem:$0x11400] =	vst v63  }
0xb8: {  	v3 =	vld [tilespmem:$0xF0];
	_ =	sdelay $0x4  }
0xb9: {  	v63 =	vshll.u32 v3, $0x1  }
0xba: {  	v3 =	vand.u32 $0x7, v3;
	v4 =	vand.u32 $0xFFFFFFF0, v63  }
0xbb: {  	v3 =	vor.u32 v3, v4  }
0xbc: {  	v4 =	vperm.xlane v3, v0  }
0xbd: {  	s17 =	simm.s32 $0x1F0;
	s18 =	simm.s32 $0x0;
	s20 =	simm.s32 $0x2400  }
0xbe: {  	s31 =	simm.s32 $0x6C00;
	s28 =	simm.s32 $0x5400;
	s29 =	simm.s32 $0x10C00;
	v3 =	vperm.xlane v3, v2;
	v4 =	vadd.s32 v1, v4  }
0xbf: {  	s30 =	simm.s32 $0x6400;
	s1 =	simm.s32 $0x7400;
	s0 =	simm.s32 $0x7C00  }
0xc0: {  	s4 =	simm.s32 $0x8400;
	s5 =	simm.s32 $0x8C00;
	s6 =	simm.s32 $0x9C00;
	v3 =	vadd.s32 v1, v3  }
0xc1: {  	s7 =	simm.s32 $0xA400;
	s8 =	simm.s32 $0xAC00;
	s10 =	simm.s32 $0xB400  }
0xc2: {  	s11 =	simm.s32 $0xBC00;
	s12 =	simm.s32 $0xC400;
	s26 =	simm.s32 $0x10400  }
0xc3: {  	[tilespmem:s26], [sflag:$0x2] =	stream.indirect_vreg.gather [hbm4b:s3+s2], $0x80, v4, vm0, $0xb8;
	[tilespmem:$0x11400] =	vst v63  }
0xc4: {  	s9 =	simm.s32 $0xCC00;
	s22 =	simm.s32 $0x3400;
	s24 =	simm.s32 $0x4400  }
0xc5: {  	[tilespmem:s29], [sflag:$0x2] =	stream.indirect_vreg.gather [hbm4b:s3+s2], $0x80, v3, vm0, $0xb8;
	[tilespmem:$0x11400] =	vst v63  }
.LBB2_2:
0xc6: {  	_ =	swait.ge [sflag:s13], $0x8000  }
0xc7: {  	s19 =	rddreg [dreg:$0x3];
	[sflag:s13] =	ssyncset.done $0x0  }
0xc8: {  	s21 =	simm.s32 $0x1400;
	[sflag:s13] =	ssyncadd.s32 $0xFFFF8000;
	s19 =	sadd.s32 s18, s19  }
0xc9: {  	[hbm4b:s19+s2] =	stream.linear.scatter [tilespmem:s21], [sflag:$0x3], $0x8000, $0x38;
	[tilespmem:$0x11400] =	vst v63  }
0xca: {  	_ =	swait.ge [sflag:s14], $0x8000  }
0xcb: {  	s25 =	rddreg [dreg:$0x4];
	[sflag:s14] =	ssyncset.done $0x0  }
0xcc: {  	s23 =	simm.s32 $0x9400;
	[sflag:s14] =	ssyncadd.s32 $0xFFFF8000;
	s19 =	sadd.s32 s18, s25  }
0xcd: {  	[hbm4b:s19+s2] =	stream.linear.scatter [tilespmem:s23], [sflag:$0x4], $0x8000, $0x38;
	[tilespmem:$0x11400] =	vst v63  }
0xce: {  	_ =	swait.ge [sflag:s15], $0x8000  }
0xcf: {  	[sflag:s15] =	ssyncset.done $0x0  }
0xd0: {  	[sflag:s15] =	ssyncadd.s32 $0xFFFF8000  }
0xd1: {  	v3 =	vld [tilespmem:s17+$0xFFFFFF10];
	_ =	sdelay $0x4  }
0xd2: {  	v4 =	vshll.u32 v3, $0x1  }
0xd3: {  	v3 =	vand.u32 $0x7, v3;
	v4 =	vand.u32 $0xFFFFFFF0, v4  }
0xd4: {  	v3 =	vor.u32 v3, v4  }
0xd5: {  	v4 =	vperm.xlane v3, v0;
	_ =	sdelay $0x1  }
0xd6: {  	v3 =	vperm.xlane v3, v2;
	v4 =	vadd.s32 v1, v4;
	_ =	sdelay $0x1  }
0xd7: {  	v3 =	vadd.s32 v1, v3;
	_ =	sdelay $0x2  }
0xd8: {  	[tilespmem:s21], [sflag:$0x1] =	stream.indirect_vreg.gather [hbm4b:s3+s2], $0x80, v4, vm0, $0xb8;
	[tilespmem:$0x11400] =	vst v63  }
0xd9: {  	s19 =	simm.s32 $0x1C00  }
0xda: {  	[tilespmem:s19], [sflag:$0x1] =	stream.indirect_vreg.gather [hbm4b:s3+s2], $0x80, v3, vm0, $0xb8;
	[tilespmem:$0x11400] =	vst v63  }
0xdb: {  	v3 =	vld [tilespmem:s17+$0xFFFFFF20];
	_ =	sdelay $0x4  }
0xdc: {  	v49 =	vshll.u32 v3, $0x1  }
0xdd: {  	v3 =	vand.u32 $0x7, v3;
	v4 =	vand.u32 $0xFFFFFFF0, v49  }
0xde: {  	v3 =	vor.u32 v3, v4  }
0xdf: {  	v4 =	vperm.xlane v3, v0;
	_ =	sdelay $0x1  }
0xe0: {  	v3 =	vperm.xlane v3, v2;
	v4 =	vadd.s32 v1, v4;
	_ =	sdelay $0x1  }
0xe1: {  	v3 =	vadd.s32 v1, v3;
	_ =	sdelay $0x2  }
0xe2: {  	[tilespmem:s20], [sflag:$0x1] =	stream.indirect_vreg.gather [hbm4b:s3+s2], $0x80, v4, vm0, $0xb8;
	[tilespmem:$0x11400] =	vst v63  }
0xe3: {  	s21 =	simm.s32 $0x2C00  }
0xe4: {  	[tilespmem:s21], [sflag:$0x1] =	stream.indirect_vreg.gather [hbm4b:s3+s2], $0x80, v3, vm0, $0xb8;
	[tilespmem:$0x11400] =	vst v63  }
0xe5: {  	v3 =	vld [tilespmem:s17+$0xFFFFFF30];
	_ =	sdelay $0x4  }
0xe6: {  	v50 =	vshll.u32 v3, $0x1  }
0xe7: {  	v3 =	vand.u32 $0x7, v3;
	v4 =	vand.u32 $0xFFFFFFF0, v50  }
0xe8: {  	v3 =	vor.u32 v3, v4  }
0xe9: {  	v4 =	vperm.xlane v3, v0;
	_ =	sdelay $0x1  }
0xea: {  	v3 =	vperm.xlane v3, v2;
	v4 =	vadd.s32 v1, v4;
	_ =	sdelay $0x1  }
0xeb: {  	v3 =	vadd.s32 v1, v3;
	_ =	sdelay $0x2  }
0xec: {  	[tilespmem:s22], [sflag:$0x1] =	stream.indirect_vreg.gather [hbm4b:s3+s2], $0x80, v4, vm0, $0xb8;
	[tilespmem:$0x11400] =	vst v63  }
0xed: {  	s21 =	simm.s32 $0x3C00  }
0xee: {  	[tilespmem:s21], [sflag:$0x1] =	stream.indirect_vreg.gather [hbm4b:s3+s2], $0x80, v3, vm0, $0xb8;
	[tilespmem:$0x11400] =	vst v63  }
0xef: {  	v3 =	vld [tilespmem:s17+$0xFFFFFF40];
	_ =	sdelay $0x4  }
0xf0: {  	v51 =	vshll.u32 v3, $0x1  }
0xf1: {  	v3 =	vand.u32 $0x7, v3;
	v4 =	vand.u32 $0xFFFFFFF0, v51  }
0xf2: {  	v3 =	vor.u32 v3, v4  }
0xf3: {  	v4 =	vperm.xlane v3, v0;
	_ =	sdelay $0x1  }
0xf4: {  	v3 =	vperm.xlane v3, v2;
	v4 =	vadd.s32 v1, v4;
	_ =	sdelay $0x1  }
0xf5: {  	v3 =	vadd.s32 v1, v3;
	_ =	sdelay $0x2  }
0xf6: {  	[tilespmem:s24], [sflag:$0x1] =	stream.indirect_vreg.gather [hbm4b:s3+s2], $0x80, v4, vm0, $0xb8;
	[tilespmem:$0x11400] =	vst v63  }
0xf7: {  	s21 =	simm.s32 $0x4C00  }
0xf8: {  	[tilespmem:s21], [sflag:$0x1] =	stream.indirect_vreg.gather [hbm4b:s3+s2], $0x80, v3, vm0, $0xb8;
	[tilespmem:$0x11400] =	vst v63  }
0xf9: {  	v3 =	vld [tilespmem:s17+$0xFFFFFF50];
	_ =	sdelay $0x4  }
0xfa: {  	v52 =	vshll.u32 v3, $0x1  }
0xfb: {  	v3 =	vand.u32 $0x7, v3;
	v4 =	vand.u32 $0xFFFFFFF0, v52  }
0xfc: {  	v3 =	vor.u32 v3, v4  }
0xfd: {  	v4 =	vperm.xlane v3, v0;
	_ =	sdelay $0x1  }
0xfe: {  	v3 =	vperm.xlane v3, v2;
	v4 =	vadd.s32 v1, v4;
	_ =	sdelay $0x1  }
0xff: {  	v3 =	vadd.s32 v1, v3;
	_ =	sdelay $0x2  }
0x100: {  	[tilespmem:s28], [sflag:$0x1] =	stream.indirect_vreg.gather [hbm4b:s3+s2], $0x80, v4, vm0, $0xb8;
	[tilespmem:$0x11400] =	vst v63  }
0x101: {  	s21 =	simm.s32 $0x5C00  }
0x102: {  	[tilespmem:s21], [sflag:$0x1] =	stream.indirect_vreg.gather [hbm4b:s3+s2], $0x80, v3, vm0, $0xb8;
	[tilespmem:$0x11400] =	vst v63  }
0x103: {  	v3 =	vld [tilespmem:s17+$0xFFFFFF60];
	_ =	sdelay $0x4  }
0x104: {  	v53 =	vshll.u32 v3, $0x1  }
0x105: {  	v3 =	vand.u32 $0x7, v3;
	v4 =	vand.u32 $0xFFFFFFF0, v53  }
0x106: {  	v3 =	vor.u32 v3, v4  }
0x107: {  	v4 =	vperm.xlane v3, v0;
	_ =	sdelay $0x1  }
0x108: {  	v3 =	vperm.xlane v3, v2;
	v4 =	vadd.s32 v1, v4;
	_ =	sdelay $0x1  }
0x109: {  	v3 =	vadd.s32 v1, v3;
	_ =	sdelay $0x2  }
0x10a: {  	[tilespmem:s30], [sflag:$0x1] =	stream.indirect_vreg.gather [hbm4b:s3+s2], $0x80, v4, vm0, $0xb8;
	[tilespmem:$0x11400] =	vst v63  }
0x10b: {  	_ = 	snop  }
0x10c: {  	[tilespmem:s31], [sflag:$0x1] =	stream.indirect_vreg.gather [hbm4b:s3+s2], $0x80, v3, vm0, $0xb8;
	[tilespmem:$0x11400] =	vst v63  }
0x10d: {  	v3 =	vld [tilespmem:s17+$0xFFFFFF70];
	_ =	sdelay $0x4  }
0x10e: {  	v54 =	vshll.u32 v3, $0x1  }
0x10f: {  	v3 =	vand.u32 $0x7, v3;
	v4 =	vand.u32 $0xFFFFFFF0, v54  }
0x110: {  	v3 =	vor.u32 v3, v4  }
0x111: {  	v4 =	vperm.xlane v3, v0;
	_ =	sdelay $0x1  }
0x112: {  	v3 =	vperm.xlane v3, v2;
	v4 =	vadd.s32 v1, v4;
	_ =	sdelay $0x1  }
0x113: {  	v3 =	vadd.s32 v1, v3;
	_ =	sdelay $0x2  }
0x114: {  	[tilespmem:s1], [sflag:$0x1] =	stream.indirect_vreg.gather [hbm4b:s3+s2], $0x80, v4, vm0, $0xb8;
	[tilespmem:$0x11400] =	vst v63  }
0x115: {  	_ = 	snop  }
0x116: {  	[tilespmem:s0], [sflag:$0x1] =	stream.indirect_vreg.gather [hbm4b:s3+s2], $0x80, v3, vm0, $0xb8;
	[tilespmem:$0x11400] =	vst v63  }
0x117: {  	v3 =	vld [tilespmem:s17+$0xFFFFFF80];
	_ =	sdelay $0x4  }
0x118: {  	v55 =	vshll.u32 v3, $0x1  }
0x119: {  	v3 =	vand.u32 $0x7, v3;
	v4 =	vand.u32 $0xFFFFFFF0, v55  }
0x11a: {  	v3 =	vor.u32 v3, v4  }
0x11b: {  	v4 =	vperm.xlane v3, v0;
	_ =	sdelay $0x1  }
0x11c: {  	v3 =	vperm.xlane v3, v2;
	v4 =	vadd.s32 v1, v4;
	_ =	sdelay $0x1  }
0x11d: {  	v3 =	vadd.s32 v1, v3;
	_ =	sdelay $0x2  }
0x11e: {  	[tilespmem:s4], [sflag:$0x1] =	stream.indirect_vreg.gather [hbm4b:s3+s2], $0x80, v4, vm0, $0xb8;
	[tilespmem:$0x11400] =	vst v63  }
0x11f: {  	_ = 	snop  }
0x120: {  	[tilespmem:s5], [sflag:$0x1] =	stream.indirect_vreg.gather [hbm4b:s3+s2], $0x80, v3, vm0, $0xb8;
	[tilespmem:$0x11400] =	vst v63  }
0x121: {  	_ =	swait.ge [sflag:s16], $0x8000  }
0x122: {  	[sflag:s16] =	ssyncset.done $0x0  }
0x123: {  	[sflag:s16] =	ssyncadd.s32 $0xFFFF8000  }
0x124: {  	v3 =	vld [tilespmem:s17+$0xFFFFFF90];
	_ =	sdelay $0x4  }
0x125: {  	v56 =	vshll.u32 v3, $0x1  }
0x126: {  	v3 =	vand.u32 $0x7, v3;
	v4 =	vand.u32 $0xFFFFFFF0, v56  }
0x127: {  	v3 =	vor.u32 v3, v4  }
0x128: {  	v4 =	vperm.xlane v3, v0;
	_ =	sdelay $0x1  }
0x129: {  	v3 =	vperm.xlane v3, v2;
	v4 =	vadd.s32 v1, v4;
	_ =	sdelay $0x1  }
0x12a: {  	v3 =	vadd.s32 v1, v3;
	_ =	sdelay $0x2  }
0x12b: {  	[tilespmem:s23], [sflag:$0x2] =	stream.indirect_vreg.gather [hbm4b:s3+s2], $0x80, v4, vm0, $0xb8;
	[tilespmem:$0x11400] =	vst v63  }
0x12c: {  	_ = 	snop  }
0x12d: {  	[tilespmem:s6], [sflag:$0x2] =	stream.indirect_vreg.gather [hbm4b:s3+s2], $0x80, v3, vm0, $0xb8;
	[tilespmem:$0x11400] =	vst v63  }
0x12e: {  	v3 =	vld [tilespmem:s17+$0xFFFFFFA0];
	_ =	sdelay $0x4  }
0x12f: {  	v57 =	vshll.u32 v3, $0x1  }
0x130: {  	v3 =	vand.u32 $0x7, v3;
	v4 =	vand.u32 $0xFFFFFFF0, v57  }
0x131: {  	v3 =	vor.u32 v3, v4  }
0x132: {  	v4 =	vperm.xlane v3, v0;
	_ =	sdelay $0x1  }
0x133: {  	v3 =	vperm.xlane v3, v2;
	v4 =	vadd.s32 v1, v4;
	_ =	sdelay $0x1  }
0x134: {  	v3 =	vadd.s32 v1, v3;
	_ =	sdelay $0x2  }
0x135: {  	[tilespmem:s7], [sflag:$0x2] =	stream.indirect_vreg.gather [hbm4b:s3+s2], $0x80, v4, vm0, $0xb8;
	[tilespmem:$0x11400] =	vst v63  }
0x136: {  	_ = 	snop  }
0x137: {  	[tilespmem:s8], [sflag:$0x2] =	stream.indirect_vreg.gather [hbm4b:s3+s2], $0x80, v3, vm0, $0xb8;
	[tilespmem:$0x11400] =	vst v63  }
0x138: {  	v3 =	vld [tilespmem:s17+$0xFFFFFFB0];
	_ =	sdelay $0x4  }
0x139: {  	v58 =	vshll.u32 v3, $0x1  }
0x13a: {  	v3 =	vand.u32 $0x7, v3;
	v4 =	vand.u32 $0xFFFFFFF0, v58  }
0x13b: {  	v3 =	vor.u32 v3, v4  }
0x13c: {  	v4 =	vperm.xlane v3, v0;
	_ =	sdelay $0x1  }
0x13d: {  	v3 =	vperm.xlane v3, v2;
	v4 =	vadd.s32 v1, v4;
	_ =	sdelay $0x1  }
0x13e: {  	v3 =	vadd.s32 v1, v3;
	_ =	sdelay $0x2  }
0x13f: {  	[tilespmem:s10], [sflag:$0x2] =	stream.indirect_vreg.gather [hbm4b:s3+s2], $0x80, v4, vm0, $0xb8;
	[tilespmem:$0x11400] =	vst v63  }
0x140: {  	_ = 	snop  }
0x141: {  	[tilespmem:s11], [sflag:$0x2] =	stream.indirect_vreg.gather [hbm4b:s3+s2], $0x80, v3, vm0, $0xb8;
	[tilespmem:$0x11400] =	vst v63  }
0x142: {  	v3 =	vld [tilespmem:s17+$0xFFFFFFC0];
	_ =	sdelay $0x4  }
0x143: {  	v59 =	vshll.u32 v3, $0x1  }
0x144: {  	v3 =	vand.u32 $0x7, v3;
	v4 =	vand.u32 $0xFFFFFFF0, v59  }
0x145: {  	v3 =	vor.u32 v3, v4  }
0x146: {  	v4 =	vperm.xlane v3, v0;
	_ =	sdelay $0x1  }
0x147: {  	v3 =	vperm.xlane v3, v2;
	v4 =	vadd.s32 v1, v4;
	_ =	sdelay $0x1  }
0x148: {  	v3 =	vadd.s32 v1, v3;
	_ =	sdelay $0x2  }
0x149: {  	[tilespmem:s12], [sflag:$0x2] =	stream.indirect_vreg.gather [hbm4b:s3+s2], $0x80, v4, vm0, $0xb8;
	[tilespmem:$0x11400] =	vst v63  }
0x14a: {  	_ = 	snop  }
0x14b: {  	[tilespmem:s9], [sflag:$0x2] =	stream.indirect_vreg.gather [hbm4b:s3+s2], $0x80, v3, vm0, $0xb8;
	[tilespmem:$0x11400] =	vst v63  }
0x14c: {  	v3 =	vld [tilespmem:s17+$0xFFFFFFD0];
	_ =	sdelay $0x4  }
0x14d: {  	v60 =	vshll.u32 v3, $0x1  }
0x14e: {  	v3 =	vand.u32 $0x7, v3;
	v4 =	vand.u32 $0xFFFFFFF0, v60  }
0x14f: {  	v3 =	vor.u32 v3, v4  }
0x150: {  	v4 =	vperm.xlane v3, v0;
	_ =	sdelay $0x1  }
0x151: {  	v3 =	vperm.xlane v3, v2;
	v4 =	vadd.s32 v1, v4;
	_ =	sdelay $0x1  }
0x152: {  	v3 =	vadd.s32 v1, v3;
	_ =	sdelay $0x1  }
0x153: {  	s23 =	simm.s32 $0xD400  }
0x154: {  	[tilespmem:s23], [sflag:$0x2] =	stream.indirect_vreg.gather [hbm4b:s3+s2], $0x80, v4, vm0, $0xb8;
	[tilespmem:$0x11400] =	vst v63  }
0x155: {  	s23 =	simm.s32 $0xDC00  }
0x156: {  	[tilespmem:s23], [sflag:$0x2] =	stream.indirect_vreg.gather [hbm4b:s3+s2], $0x80, v3, vm0, $0xb8;
	[tilespmem:$0x11400] =	vst v63  }
0x157: {  	v3 =	vld [tilespmem:s17+$0xFFFFFFE0];
	_ =	sdelay $0x4  }
0x158: {  	v61 =	vshll.u32 v3, $0x1  }
0x159: {  	v3 =	vand.u32 $0x7, v3;
	v4 =	vand.u32 $0xFFFFFFF0, v61  }
0x15a: {  	v3 =	vor.u32 v3, v4  }
0x15b: {  	v4 =	vperm.xlane v3, v0;
	_ =	sdelay $0x1  }
0x15c: {  	v3 =	vperm.xlane v3, v2;
	v4 =	vadd.s32 v1, v4;
	_ =	sdelay $0x1  }
0x15d: {  	v3 =	vadd.s32 v1, v3;
	_ =	sdelay $0x1  }
0x15e: {  	s23 =	simm.s32 $0xE400  }
0x15f: {  	[tilespmem:s23], [sflag:$0x2] =	stream.indirect_vreg.gather [hbm4b:s3+s2], $0x80, v4, vm0, $0xb8;
	[tilespmem:$0x11400] =	vst v63  }
0x160: {  	s23 =	simm.s32 $0xEC00  }
0x161: {  	[tilespmem:s23], [sflag:$0x2] =	stream.indirect_vreg.gather [hbm4b:s3+s2], $0x80, v3, vm0, $0xb8;
	[tilespmem:$0x11400] =	vst v63  }
0x162: {  	v3 =	vld [tilespmem:s17+$0xFFFFFFF0];
	_ =	sdelay $0x4  }
0x163: {  	v62 =	vshll.u32 v3, $0x1  }
0x164: {  	v3 =	vand.u32 $0x7, v3;
	v4 =	vand.u32 $0xFFFFFFF0, v62  }
0x165: {  	v3 =	vor.u32 v3, v4  }
0x166: {  	v4 =	vperm.xlane v3, v0;
	_ =	sdelay $0x1  }
0x167: {  	v3 =	vperm.xlane v3, v2;
	v4 =	vadd.s32 v1, v4;
	_ =	sdelay $0x1  }
0x168: {  	v3 =	vadd.s32 v1, v3;
	_ =	sdelay $0x1  }
0x169: {  	s23 =	simm.s32 $0xF400  }
0x16a: {  	[tilespmem:s23], [sflag:$0x2] =	stream.indirect_vreg.gather [hbm4b:s3+s2], $0x80, v4, vm0, $0xb8;
	[tilespmem:$0x11400] =	vst v63  }
0x16b: {  	s23 =	simm.s32 $0xFC00  }
0x16c: {  	[tilespmem:s23], [sflag:$0x2] =	stream.indirect_vreg.gather [hbm4b:s3+s2], $0x80, v3, vm0, $0xb8;
	[tilespmem:$0x11400] =	vst v63  }
0x16d: {  	v3 =	vld [tilespmem:s17+$0x0];
	_ =	sdelay $0x4  }
0x16e: {  	v63 =	vshll.u32 v3, $0x1  }
0x16f: {  	v3 =	vand.u32 $0x7, v3;
	v4 =	vand.u32 $0xFFFFFFF0, v63  }
0x170: {  	v3 =	vor.u32 v3, v4  }
0x171: {  	v4 =	vperm.xlane v3, v0;
	_ =	sdelay $0x1  }
0x172: {  	v3 =	vperm.xlane v3, v2;
	v4 =	vadd.s32 v1, v4;
	_ =	sdelay $0x1  }
0x173: {  	p0 =	sne.s32 s18, $0x24000;
	v3 =	vadd.s32 v1, v3  }
.Ltmp0:
0x174: {  	_ = 	snop;
	(pc) =	sbr.rel @p0 .LBB2_2-.Ltmp0, $4  }
0x175: {  	s25 =	simm.s32 $0x1400  }
0x176: {  	[tilespmem:s26], [sflag:$0x2] =	stream.indirect_vreg.gather [hbm4b:s3+s2], $0x80, v4, vm0, $0xb8;
	[tilespmem:$0x11400] =	vst v63  }
0x177: {  	s18 =	sadd.s32 $0x2000, s18;
	s21 =	simm.s32 $0x9400;
	s17 =	sadd.s32 $0x100, s17  }
0x178: {  	[tilespmem:s29], [sflag:$0x2] =	stream.indirect_vreg.gather [hbm4b:s3+s2], $0x80, v3, vm0, $0xb8;
	[tilespmem:$0x11400] =	vst v63  }
0x179: {  	_ =	swait.ge [sflag:s13], $0x8000  }
0x17a: {  	[sflag:s13] =	ssyncset.done $0x0  }
0x17b: {  	s17 =	rddreg [dreg:$0x6];
	[sflag:s13] =	ssyncadd.s32 $0xFFFF8000  }
0x17c: {  	[hbm4b:s17+s2] =	stream.linear.scatter [tilespmem:s25], [sflag:$0x3], $0x8000, $0x38;
	[tilespmem:$0x11400] =	vst v63  }
0x17d: {  	_ =	swait.ge [sflag:s14], $0x8000  }
0x17e: {  	[sflag:s14] =	ssyncset.done $0x0  }
0x17f: {  	s24 =	rddreg [dreg:$0x7];
	[sflag:s14] =	ssyncadd.s32 $0xFFFF8000  }
0x180: {  	[hbm4b:s24+s2] =	stream.linear.scatter [tilespmem:s21], [sflag:$0x4], $0x8000, $0x38;
	[tilespmem:$0x11400] =	vst v63  }
0x181: {  	_ =	swait.ge [sflag:s15], $0x8000  }
0x182: {  	s18 =	simm.s32 $0x2400;
	[sflag:s15] =	ssyncset.done $0x0  }
0x183: {  	s20 =	simm.s32 $0x2C00;
	s31 =	simm.s32 $0x3400;
	[sflag:s15] =	ssyncadd.s32 $0xFFFF8000  }
0x184: {  	s22 =	simm.s32 $0x3C00;
	s23 =	simm.s32 $0x4400;
	_ =	swait.ge [sflag:s16], $0x8000  }
0x185: {  	s28 =	simm.s32 $0x5C00;
	s29 =	simm.s32 $0x6400;
	s0 =	rddreg [dreg:$0x9]  }
0x186: {  	s30 =	simm.s32 $0x6C00;
	s26 =	rddreg [dreg:$0x8];
	s0 =	sadd.s32 $0x1, s0  }
0x187: {  	s1 =	simm.s32 $0x7400;
	s4 =	simm.s32 $0x8400;
	p0 =	sne.s32 s0, s26  }
.Ltmp1:
0x188: {  	s5 =	simm.s32 $0x8C00;
	s6 =	simm.s32 $0x9C00;
	(pc) =	sbr.rel @p0 .LBB2_1-.Ltmp1, $4  }
0x189: {  	s7 =	simm.s32 $0xA400;
	s8 =	simm.s32 $0xAC00;
	s10 =	simm.s32 $0xB400  }
0x18a: {  	s11 =	simm.s32 $0xBC00;
	s12 =	simm.s32 $0xC400;
	[sflag:s16] =	ssyncset.done $0x0  }
0x18b: {  	s9 =	simm.s32 $0xCC00;
	s24 =	simm.s32 $0x4C00;
	[sflag:s16] =	ssyncadd.s32 $0xFFFF8000  }
0x18c: {  	[dreg:$0x9] =	wrdreg s0;
	s26 =	simm.s32 $0x5400;
	s0 =	simm.s32 $0x7C00  }
0x18d: {  	_ =	sfence.sel $0x180000  }
0x18e: {  	[bflag:$0x0] =	sbarrier.arrive $0xFFFF  }
0x18f: {  	_ =	strace $0x9000004A  }
0x190: {  	s0 =	stileid.u32;
	[bflag:$0x2] =	sbarrier.arrive $0xFFFF  }
0x191: {  	p0 =	sne.s32 s0, $0x0;
	s0 =	rddreg [dreg:$0x2]  }
0x192: {  	s0 =	sadd.s32 @!p0 $0x100000, s0  }
0x193: {  	[sflag:s0] =	ssyncadd.tile.s32 @!p0 $0x1;
	_ =	shalt  }
.Lfunc_end2:
_tile_overlayer_lowered:
.L_overlay_start_2:
0x194: {  	(tag) =	ssettag $0x2  }
0x195: {  	s0 =	rddreg [dreg:$0x0];
	s2 =	stileid.u32  }
0x196: {  	s1 =	rddreg [dreg:$0x1];
	p0 =	sne.s32 s2, $0x0  }
0x197: {  	s3 =	rddreg [dreg:$0x2];
	[bflag:$0x3] =	sbarrier.arrive $0xFFFF;
	s2 =	simm.s32 @!p0 $0x1C05  }
0x198: {  	[timem:s3], [sflag:s2] =	dma.local @!p0 [hbm:s0], s1  }
0x199: {  	s0 =	simm.s32 @!p0 $0x5  }
0x19a: {  	_ =	swait.ge @!p0 [sflag:s0], s1  }
0x19b: {  	s1 =	ssub.s32 @!p0 $0x0, s1;
	[sflag:s0] =	ssyncset.done @!p0 $0x0  }
0x19c: {  	[sflag:s0] =	ssyncadd.s32 @!p0 s1  }
0x19d: {  	[bflag:$0x3] =	sbarrier.arrive $0xFFFF  }
0x19e: {  	_ =	shalt  }

// kernel: scatter_offload_async_start
scs
__scs_entry_jumppad:
0x0: {  	(pc) =	sbr.rel $0x88, $3  }
0x1: {  	(tag) =	ssettag $0x0;
	lr =	simm.s32 $0x1  }
0x2: {  	[smem:$0x3F8D] =	sst lr;
	_ =	strace $0xD0000000  }
0x3: {  	_ = 	snop  }
0x4: {  	_ = 	snop  }
0x5: {  	_ = 	snop  }
0x6: {  	_ = 	snop  }
0x7: {  	_ = 	snop  }
__scs_overlays_trampoline_lowered:
0x8: {  	[smem:$0x3F9C] =	sst s0  }
0x9: {  	[smem:$0x3F9D] =	sst s1  }
0xa: {  	[smem:$0x3F9E] =	sst s2  }
0xb: {  	[smem:$0x3F9F] =	sst s3  }
0xc: {  	[smem:$0x3FA0] =	sst s4  }
0xd: {  	[smem:$0x3FA1] =	sst s5  }
0xe: {  	[smem:$0x3FA2] =	sst s6  }
0xf: {  	[smem:$0x3FA3] =	sst s7  }
0x10: {  	[smem:$0x3FA4] =	sst s8  }
0x11: {  	[smem:$0x3FA5] =	sst s9;
	s0 =	simm.s32 @!p0 $0x0  }
0x12: {  	s1 =	sld [smem:$0x3F8B];
	s0 =	simm.s32 @p0 $0x1  }
0x13: {  	[smem:$0x3FA6] =	sst s0;
	s0 =	simm.s32 @!p1 $0x0  }
0x14: {  	s2 =	sld [smem:$0x3F8A];
	s0 =	simm.s32 @p1 $0x1  }
0x15: {  	[smem:$0x3FA7] =	sst s0;
	s0 =	simm.s32 @!p2 $0x0  }
0x16: {  	s3 =	sld [smem:$0x3FDB];
	s0 =	simm.s32 @p2 $0x1  }
0x17: {  	s4 =	simm.s32 $0x1BF5;
	[smem:$0x3FA9] =	sst s0  }
0x18: {  	s0 =	sld [smem:$0x3F8C];
	_ =	swait.ge [sflag:s4], $0x0  }
0x19: {  	s7 =	sld [smem:$0x3F8D]  }
0x1a: {  	s8 =	sadd.s32 $0xFFFFE003, lr  }
0x1b: {  	s9 =	sadd.s32 $0xFFFFFEF7, lr;
	s5 =	simm.s32 $0xFFFFFFFF;
	p2 =	slt.u32 s8, $0xFFFFF086  }
0x1c: {  	p1 =	slt.u32 s9, $0xF7A;
	s5 =	simm.s32 @!p2 $0x0  }
0x1d: {  	s5 =	simm.s32 @p1 $0x1;
	p0 =	seq.s32 s7, s2  }
0x1e: {  	s7 =	smul.u32 @!p0 $0xF7A, s2;
	p2 =	seq.s32 @!p0 s5, $0x0  }
0x1f: {  	s9 =	smul.u32 $0xF7A, s1;
	s8 =	simm.s32 @!p0 $0x1BF5;
	p2 =	por !p2, p0  }
0x20: {  	[sflag:s8] =	ssyncset.s32 @!p0 $0xFFFFF086;
	s6 =	sadd.s32 @!p0 s3, s7;
	s7 =	simm.s32 @!p0 $0x108  }
0x21: {  	s3 =	sadd.s32 s3, s9;
	s6 =	sadd.s32 @!p0 $0x88, s6;
	s7 =	simm.s32 @p2 $0x1082  }
0x22: {  	[simem:s7], [sflag:s8] =	dma.local @!p0 [hbm:s6], $0xF7A  }
0x23: {  	s9 =	sor.u32 $0xD0000000, s2;
	s6 =	simm.s32 $0x108;
	_ =	swait.ge @!p0 [sflag:s8], $0x0  }
0x24: {  	s3 =	sadd.s32 $0x88, s3;
	s6 =	simm.s32 @!p1 $0x1082;
	[sflag:s4] =	ssyncset.s32 $0xFFFFF086  }
0x25: {  	[simem:s6], [sflag:s4] =	dma.local [hbm:s3], $0xF7A  }
0x26: {  	[smem:$0x3F8D] =	sst s1;
	(tag) =	ssettag s2;
	_ =	strace s9  }
0x27: {  	s1 =	sld [smem:$0x3F9D]  }
0x28: {  	s2 =	sld [smem:$0x3F9E]  }
0x29: {  	s4 =	sld [smem:$0x3FA0]  }
0x2a: {  	p0 =	seq.s32 s5, $0x0;
	s5 =	sld [smem:$0x3FA1]  }
0x2b: {  	s6 =	sld [smem:$0x3FA2]  }
0x2c: {  	s7 =	sld [smem:$0x3FA3]  }
0x2d: {  	s3 =	simm.s32 $0x108;
	s8 =	sld [smem:$0x3FA4]  }
0x2e: {  	s3 =	simm.s32 @!p0 $0x1082;
	s9 =	sld [smem:$0x3FA5]  }
0x2f: {  	lr =	sadd.s32 s0, s3;
	s0 =	sld [smem:$0x3F9C]  }
0x30: {  	s3 =	sld [smem:$0x3F9F]  }
0x31: {  	[smem:$0x3FA8] =	sst s10  }
0x32: {  	s10 =	sld [smem:$0x3FA6];
	_ =	sdelay $0x3  }
0x33: {  	p0 =	seq.s32 s10, $0x1;
	s10 =	sld [smem:$0x3FA8];
	_ =	sdelay $0x3  }
0x34: {  	[smem:$0x3FA8] =	sst s10  }
0x35: {  	s10 =	sld [smem:$0x3FA7];
	_ =	sdelay $0x3  }
0x36: {  	p1 =	seq.s32 s10, $0x1;
	s10 =	sld [smem:$0x3FA8];
	_ =	sdelay $0x3  }
0x37: {  	[smem:$0x3FA8] =	sst s10  }
0x38: {  	s10 =	sld [smem:$0x3FA9]  }
0x39: {  	_ = 	snop;
	(pc) =	sbr.ind lr, $3  }
0x3a: {  	_ = 	snop  }
0x3b: {  	_ = 	snop  }
0x3c: {  	p2 =	seq.s32 s10, $0x1;
	s10 =	sld [smem:$0x3FA8]  }
0x3d: {  	_ =	shalt  }
0x3e: {  	_ =	shalt  }
0x3f: {  	_ =	shalt  }
0x40: {  	_ =	shalt  }
0x41: {  	_ =	shalt  }
0x42: {  	_ =	shalt  }
0x43: {  	_ =	shalt  }
0x44: {  	_ =	shalt  }
0x45: {  	_ =	shalt  }
0x46: {  	_ =	shalt  }
0x47: {  	_ =	shalt  }
0x48: {  	_ =	shalt  }
0x49: {  	_ =	shalt  }
0x4a: {  	_ =	shalt  }
0x4b: {  	_ =	shalt  }
0x4c: {  	_ =	shalt  }
0x4d: {  	_ =	shalt  }
0x4e: {  	_ =	shalt  }
0x4f: {  	_ =	shalt  }
0x50: {  	_ =	shalt  }
0x51: {  	_ =	shalt  }
0x52: {  	_ =	shalt  }
0x53: {  	_ =	shalt  }
0x54: {  	_ =	shalt  }
0x55: {  	_ =	shalt  }
0x56: {  	_ =	shalt  }
0x57: {  	_ =	shalt  }
0x58: {  	_ =	shalt  }
0x59: {  	_ =	shalt  }
0x5a: {  	_ =	shalt  }
0x5b: {  	_ =	shalt  }
0x5c: {  	_ =	shalt  }
0x5d: {  	_ =	shalt  }
0x5e: {  	_ =	shalt  }
0x5f: {  	_ =	shalt  }
0x60: {  	_ =	shalt  }
0x61: {  	_ =	shalt  }
0x62: {  	_ =	shalt  }
0x63: {  	_ =	shalt  }
0x64: {  	_ =	shalt  }
0x65: {  	_ =	shalt  }
0x66: {  	_ =	shalt  }
0x67: {  	_ =	shalt  }
0x68: {  	_ =	shalt  }
0x69: {  	_ =	shalt  }
0x6a: {  	_ =	shalt  }
0x6b: {  	_ =	shalt  }
0x6c: {  	_ =	shalt  }
0x6d: {  	_ =	shalt  }
0x6e: {  	_ =	shalt  }
0x6f: {  	_ =	shalt  }
0x70: {  	_ =	shalt  }
0x71: {  	_ =	shalt  }
0x72: {  	_ =	shalt  }
0x73: {  	_ =	shalt  }
0x74: {  	_ =	shalt  }
0x75: {  	_ =	shalt  }
0x76: {  	_ =	shalt  }
0x77: {  	_ =	shalt  }
0x78: {  	_ =	shalt  }
0x79: {  	_ =	shalt  }
0x7a: {  	_ =	shalt  }
0x7b: {  	_ =	shalt  }
0x7c: {  	_ =	shalt  }
0x7d: {  	_ =	shalt  }
0x7e: {  	_ =	shalt  }
0x7f: {  	_ =	shalt  }
0x80: {  	_ =	shalt  }
0x81: {  	_ =	shalt  }
0x82: {  	_ =	shalt  }
0x83: {  	_ =	shalt  }
0x84: {  	_ =	shalt  }
0x85: {  	_ =	shalt  }
0x86: {  	_ =	shalt  }
0x87: {  	_ =	shalt  }
.Lfunc_end0:
.L_simem_size_0:
called_computation_lowered:
.L_overlay_start_0:
0x88: {  	s0 =	sld [smem:$0x3FD9]  }
0x89: {  	s1 =	sld [smem:$0x3FFE];
	_ =	sdelay $0x3  }
0x8a: {  	s0 =	sadd.s32 s1, s0  }
0x8b: {  	[smem:$0x3FB4] =	sst s0  }
0x8c: {  	_ = 	snop  }
0x8d: {  	(tm) =	ssettm $0x1  }
0x8e: {  	s15 =	sld [smem:$0x3FFB];
	_ =	sdelay $0x3  }
0x8f: {  	_ =	strace s15  }
0x90: {  	s0 =	sld [smem:$0x3FFC];
	_ =	sdelay $0x3  }
0x91: {  	_ =	strace s0  }
0x92: {  	s0 =	sld [smem:$0x3FFD];
	_ =	sdelay $0x3  }
0x93: {  	_ =	strace s0  }
0x94: {  	_ =	strace $0x8FFFFFFF  }
0x95: {  	s16 =	sld [smem:$0x3FDB];
	_ =	sdelay $0x1  }
0x96: {  	s17 =	simm.s32 $_scs_section_size  }
0x97: {  	s2 =	simm.s32 $_size__tile_overlayer_lowered;
	s3 =	simm.s32 $_tile_overlayer_lowered  }
0x98: {  	s20 =	simm.s32 $0x1BFF;
	s19 =	sshll.u32 s3, $0x1;
	s0 =	sadd.s32 s17, s16  }
0x99: {  	s4 =	simm.s32 $0x0;
	s18 =	sshll.u32 s2, $0x1;
	s2 =	sadd.s32 s19, s0  }
0x9a: {  	[timem:s4], [sflag:s20] =	dma.local [hbm:s2], s18  }
0x9b: {  	_ =	swait.ge [sflag:s20], s18  }
0x9c: {  	s1 =	ssub.s32 $0x0, s18;
	[sflag:s20] =	ssyncset.done $0x0  }
0x9d: {  	[sflag:s20] =	ssyncadd.s32 s1;
	_ =	sdelay $0x1  }
0x9e: {  	s21 =	simm.s32 $0x1B8B  }
0x9f: {  	_ =	swait.ge [sflag:s21], $0x1  }
0xa0: {  	[sflag:s21] =	ssyncset.done $0x0  }
0xa1: {  	s23 =	simm.s32 $0x1B8E;
	s22 =	sld [smem:$0x3FFE];
	[sflag:s21] =	ssyncadd.s32 $0xFFFFFFFF  }
0xa2: {  	s24 =	simm.s32 $execute0_lowered;
	[smem:$0x3FD2] =	sst s23  }
0xa3: {  	s2 =	sshll.u32 s24, $0x1;
	_ =	strace $0x80000046;
	[dreg:$0x1] =	wrdreg $0xFFFFFFFF  }
0xa4: {  	s25 =	simm.s32 $_size_execute0_lowered;
	s0 =	sadd.s32 s0, s2;
	[dreg:$0x0] =	wrdreg $0x0  }
0xa5: {  	s2 =	sshll.u32 s25, $0x1;
	[dreg:$0x2] =	wrdreg s0  }
0xa6: {  	[dreg:$0x3] =	wrdreg s2  }
0xa7: {  	[dreg:$0x4] =	wrdreg $0xC0  }
0xa8: {  	_ =	task [dreg:s4], $0x5FFFF  }
0xa9: {  	[dreg:$0x1] =	wrdreg $0xFFFFFFFF  }
0xaa: {  	[dreg:$0x0] =	wrdreg $0x60  }
0xab: {  	[dreg:$0x2] =	wrdreg s22  }
0xac: {  	[dreg:$0x3] =	wrdreg $0x9  }
0xad: {  	_ =	task.clear_ibuf [dreg:s4], $0x4FFFF;
	_ =	strace $0x90000046  }
0xae: {  	s26 =	simm.s32 $0x9;
	_ =	strace $0x80000048  }
0xaf: {  	_ =	swait.ge [sflag:s26], $0x1  }
0xb0: {  	[sflag:s26] =	ssyncadd.s32 $0xFFFFFFFF  }
0xb1: {  	_ =	strace $0x90000048  }
0xb2: {  	_ =	sfence  }
0xb3: {  	s28 =	sld [smem:$0x0];
	_ =	sdelay $0x1  }
0xb4: {  	s29 =	srdreg.scid  }
0xb5: {  	s30 =	sshll.u32 s29, $0xD;
	s31 =	sshrl.u32 s29, $0x2  }
0xb6: {  	s1 =	sand.u32 $0x1, s29;
	s2 =	sand.u32 $0x4000, s30;
	s0 =	sadd.s32 s31, s28  }
0xb7: {  	s1 =	sor.u32 s2, s1;
	s0 =	sshll.u32 s0, $0x11  }
0xb8: {  	s0 =	sor.u32 s0, s1  }
0xb9: {  	s0 =	sadd.s32 $0x8F2B, s0  }
0xba: {  	[sflag:s0] =	ssyncadd.remote.s32 $0x1  }
0xbb: {  	_ =	sfence.sel $0xFFFF  }
0xbc: {  	[dreg:$0x0] =	wrdreg $0xFFFFFFFF;
	(pc) =	sbr.abs _section_cstart, $3  }
0xbd: {  	[dreg:$0x1] =	wrdreg $0xFFFFFFFF  }
0xbe: {  	_ =	task.clear_ibuf [dreg:s4], $0x2FFFF;
	_ =	strace $0x9FFFFFFF  }
0xbf: {  	(tm) =	ssettm $0x7FFFFFFF  }
tec
execute0_lowered:
.L_overlay_start_1:
0x0: {  	(tag) =	ssettag $0x1  }
0x1: {  	s7 =	rddreg [dreg:$0x0]  }
0x2: {  	s0 =	rddreg [dreg:$0x1]  }
0x3: {  	_ =	strace $0x80000047;
	s3 =	stileid.u32;
	s4 =	simm.s32 $0x3E  }
0x4: {  	s1 =	sadd.s32 $0x8A800, s7;
	p0 =	sne.s32 s3, $0x0;
	[sflag:s4] =	ssyncpa.u1 $0x0  }
0x5: {  	s30 =	smin.u32 s3, $0x4;
	s2 =	simm.s32 @!p0 $0x1C3E;
	s5 =	simm.s32 @!p0 $0x0  }
0x6: {  	[spmem:s5], [sflag:s2] =	dma.local @!p0 [hbm:s1], $0x500  }
0x7: {  	s2 =	sadd.s32 s3, s30  }
0x8: {  	p1 =	slt.u32 s3, $0x4;
	s3 =	simm.s32 $0x3E80;
	s2 =	smul.u32 $0x1F40, s2  }
0x9: {  	s3 =	simm.s32 @!p1 $0x1F40  }
0xa: {  	s3 =	sadd.s32 s3, s2  }
0xb: {  	s3 =	smin.u32 s3, $0x27100  }
0xc: {  	s8 =	ssub.s32 s3, s2  }
0xd: {  	p1 =	sgt.s32 s8, $0x0  }
0xe: {  	s8 =	simm.s32 @!p1 $0x0  }
0xf: {  	s5 =	simm.s32 @!p0 $0x3E;
	s31 =	smulhi.u32 $0x10624DD3, s8  }
0x10: {  	_ =	swait.ge @!p0 [sflag:s5], $0x500  }
0x11: {  	s6 =	simm.s32 $0x2;
	[sflag:s5] =	ssyncset.done @!p0 $0x0;
	s9 =	sshrl.u32 s31, $0x9  }
0x12: {  	s11 =	simm.s32 $0x0;
	[sflag:s5] =	ssyncadd.s32 @!p0 $0xFFFFFB00;
	s10 =	smul.u32 $0x1F40, s9  }
.Ltmp0:
0x13: {  	s5 =	sadd.s32 $0x800, s7;
	[bflag:$0x0] =	sbarrier.arrive $0xFFFF;
	(pc) =	sbr.rel .LBB2_1-.Ltmp0, $4  }
0x14: {  	s7 =	sadd.s32 $0x85800, s7;
	[sflag:s4] =	ssyncpa.u1 $0x1;
	s4 =	simm.s32 $0x1  }
0x15: {  	[sflag:s4] =	ssyncpa.u1 $0x0;
	p1 =	sne.s32 s8, s10;
	s8 =	simm.s32 $0x1  }
0x16: {  	(ifvalue) =	ssetifvalue $0x2800;
	[sflag:s6] =	ssyncpa.u1 $0x0;
	s8 =	simm.s32 @!p1 $0x0  }
0x17: {  	vm0 =	vmmov $0xffff;
	s10 =	smov.u32 s2;
	s8 =	sadd.s32 s8, s9;
	s9 =	simm.s32 $0x0  }
.LBB2_5:
0x18: {  	p2 =	sne.s32 s11, s8  }
.Ltmp1:
0x19: {  	_ = 	snop;
	(pc) =	sbr.rel @!p2 .LBB2_6-.Ltmp1, $4  }
0x1a: {  	_ = 	snop  }
0x1b: {  	s12 =	sadd.s32 $0x1F40, s10  }
0x1c: {  	s10 =	smov.u32 s2;
	s13 =	sadd.s32 $0x1, s11;
	p1 =	slt.s32 s12, s3  }
0x1d: {  	s11 =	smov.u32 s13;
	s10 =	smov.u32 @p1 s12  }
.LBB2_1:
0x1e: {  	p1 =	sge.u32 s11, s8  }
0x1f: {  	s12 =	sxor.u32 @!p1 $0xFFFFFFFF, s11  }
0x20: {  	s12 =	sand.u32 @!p1 $0x1, s12  }
0x21: {  	s12 =	smul.u32 @!p1 $0x1F40, s12  }
0x22: {  	s13 =	sshrl.u32 @!p1 s10, $0x3  }
0x23: {  	s16 =	sand.u32 @!p1 $0x7, s10;
	s14 =	sadd.s32 @!p1 s5, s13;
	s15 =	sadd.s32 @!p1 $0x280, s12  }
0x24: {  	[tilespmem:s15], [sflag:$0x2] =	stream.linear.gather @!p1 [hbm4b:s14+s16], $0x1F40, $0x38;
	[tilespmem:$0x7F80] =	vst v63  }
0x25: {  	s13 =	sadd.s32 @!p1 s7, s13;
	s12 =	sadd.s32 @!p1 $0x4100, s12  }
0x26: {  	[tilespmem:s12], [sflag:$0x2] =	stream.linear.gather @!p1 [hbm4b:s13+s16], $0x1F40, $0x38;
	[tilespmem:$0x7F80] =	vst v63  }
0x27: {  	p1 =	seq.s32 s11, $0x0  }
.Ltmp2:
0x28: {  	_ = 	snop;
	(pc) =	sbr.rel @p1 .LBB2_5-.Ltmp2, $1  }
0x29: {  	_ =	sdelay $0x3  }
0x2a: {  	s12 =	sand.u32 $0x1, s11  }
0x2b: {  	_ =	swait.ge [sflag:s6], $0x3E80;
	p1 =	seq.s32 s12, $0x1;
	s12 =	simm.s32 $0x1F40  }
0x2c: {  	[sflag:s6] =	ssyncset.done $0x0;
	s12 =	simm.s32 @!p1 $0x0  }
0x2d: {  	[sflag:s6] =	ssyncadd.s32 $0xFFFFC180;
	s14 =	sadd.s32 $0x280, s12  }
0x2e: {  	v0 =	vld.msk [tilespmem:s14+$0x0 ss:$0x1], $0xffff;
	_ =	sdelay $0x4  }
0x2f: {  	v0 =	vmin.u32 v0, $0x2800;
	_ =	sdelay $0x3  }
0x30: {  	s13 =	simm.s32 $0x0;
	s12 =	sadd.s32 $0x4100, s12;
	s14 =	sadd.s32 $0x10, s14  }
0x31: {  	[spmem:s9] =	stream.indirect_vreg.scatter.add.s32 [tilespmem:s12], [sflag:$0x1], $0x1, v0, vm0, $0x4038;
	[tilespmem:$0x7F80] =	vst v63  }
.LBB2_3:
0x32: {  	v0 =	vld.msk [tilespmem:s14+$0x0 ss:$0x1], $0xffff;
	s13 =	sadd.s32 $0x10, s13  }
0x33: {  	p1 =	slt.u32 s13, $0x1F30;
	_ =	sdelay $0x4  }
0x34: {  	v0 =	vmin.u32 v0, $0x2800  }
.Ltmp3:
0x35: {  	(pc) =	sbr.rel @p1 .LBB2_3-.Ltmp3, $3  }
0x36: {  	_ =	sdelay $0x1  }
0x37: {  	s14 =	sadd.s32 $0x10, s14;
	s12 =	sadd.s32 $0x10, s12  }
0x38: {  	[spmem:s9] =	stream.indirect_vreg.scatter.add.s32 [tilespmem:s12], [sflag:$0x1], $0x1, v0, vm0, $0x4038;
	[tilespmem:$0x7F80] =	vst v63  }
.Ltmp4:
0x39: {  	(pc) =	sbr.rel .LBB2_5-.Ltmp4, $4  }
0x3a: {  	_ = 	snop  }
0x3b: {  	_ =	swait.ge [sflag:s4], $0x1F40  }
0x3c: {  	[sflag:s4] =	ssyncset.done $0x0  }
0x3d: {  	[sflag:s4] =	ssyncadd.s32 $0xFFFFE0C0  }
.LBB2_6:
0x3e: {  	_ =	sfence.sel $0x180000  }
0x3f: {  	s2 =	simm.s32 $0x2;
	[bflag:$0x0] =	sbarrier.arrive $0xFFFF  }
0x40: {  	s30 =	simm.s32 $0x1;
	[sflag:s2] =	ssyncpa.u1 $0x1  }
0x41: {  	[sflag:s30] =	ssyncpa.u1 $0x1  }
0x42: {  	_ =	sfence.stream.spmem  }
0x43: {  	s31 =	simm.s32 $0x3D;
	[bflag:$0x0] =	sbarrier.arrive $0xFFFF  }
0x44: {  	s2 =	simm.s32 @p0 $0x3D;
	[sflag:s31] =	ssyncpa.u1 $0x0  }
0x45: {  	[sflag:s2] =	ssyncpa.u1 @p0 $0x1  }
0x46: {  	[bflag:$0x0] =	sbarrier.arrive @p0 $0xFFFF  }
0x47: {  	_ =	strace @p0 $0x90000047  }
0x48: {  	s3 =	simm.s32 @!p0 $0x1C3D;
	s2 =	simm.s32 @!p0 $0x0;
	[bflag:$0x2] =	sbarrier.arrive @p0 $0xFFFF  }
0x49: {  	[hbm:s1], [sflag:s3] =	dma.local @!p0 [spmem:s2], $0x500  }
0x4a: {  	s1 =	simm.s32 @!p0 $0x3D  }
0x4b: {  	_ =	swait.ge @!p0 [sflag:s1], $0x500  }
0x4c: {  	[sflag:s1] =	ssyncset.done @!p0 $0x0  }
0x4d: {  	[sflag:s1] =	ssyncadd.s32 @!p0 $0xFFFFFB00  }
0x4e: {  	[sflag:s1] =	ssyncpa.u1 @!p0 $0x1  }
0x4f: {  	[bflag:$0x0] =	sbarrier.arrive @!p0 $0xFFFF  }
0x50: {  	_ =	strace @!p0 $0x90000047  }
0x51: {  	s0 =	sadd.s32 @!p0 $0x100000, s0;
	[bflag:$0x2] =	sbarrier.arrive @!p0 $0xFFFF  }
0x52: {  	[sflag:s0] =	ssyncadd.tile.s32 @!p0 $0x1;
	_ =	shalt  }
.Lfunc_end2:
_tile_overlayer_lowered:
.L_overlay_start_2:
0x53: {  	(tag) =	ssettag $0x2  }
0x54: {  	s0 =	rddreg [dreg:$0x0];
	s2 =	stileid.u32  }
0x55: {  	s1 =	rddreg [dreg:$0x1];
	p0 =	sne.s32 s2, $0x0  }
0x56: {  	s3 =	rddreg [dreg:$0x2];
	[bflag:$0x3] =	sbarrier.arrive $0xFFFF;
	s2 =	simm.s32 @!p0 $0x1C01  }
0x57: {  	[timem:s3], [sflag:s2] =	dma.local @!p0 [hbm:s0], s1  }
0x58: {  	s0 =	simm.s32 @!p0 $0x1  }
0x59: {  	_ =	swait.ge @!p0 [sflag:s0], s1  }
0x5a: {  	s1 =	ssub.s32 @!p0 $0x0, s1;
	[sflag:s0] =	ssyncset.done @!p0 $0x0  }
0x5b: {  	[sflag:s0] =	ssyncadd.s32 @!p0 s1  }
0x5c: {  	[bflag:$0x3] =	sbarrier.arrive $0xFFFF  }
0x5d: {  	_ =	shalt  }

</sc_bundles>
